<compile_context>
chip_gen: v7x
topology: tpu7x:2x2x1
jax: 0.10.2.dev20260603
libtpu: 0.0.44.dev20260713+nightly
codegen_flags: <defaults>
</compile_context>

<pallas_src>
import jax
import jax.numpy as jnp
from jax import lax
from jax.experimental import pallas as pl
from jax.experimental.pallas import tpu as pltpu
from jax.experimental.pallas import tpu_sc as plsc

NUM_EDGES = 320000
NUM_RELS = 500
HIDDEN = 128
HW = HIDDEN // 2
NCH = HW // 16
NC = 2
NS = 16
NW = NC * NS
PER_W = NUM_EDGES // NW
BLK = 80
NBLK = PER_W // BLK


def _body(src_hbm, dst_hbm, typ_hbm, z_hbm, rel_hbm, out_hbm,
          sidx, didx, tidx, rel_v,
          srows0, drows0, srows1, drows1,
          obuf, sem0, sem1):
    wid = lax.axis_index("s") * NC + lax.axis_index("c")
    wbase = wid * PER_W

    bufs = ((srows0, drows0, sem0), (srows1, drows1, sem1))
    lanes = lax.iota(jnp.int32, 16)
    last_lane = lanes == 15

    pltpu.sync_copy(src_hbm.at[pl.ds(wbase, PER_W)], sidx)
    pltpu.sync_copy(dst_hbm.at[pl.ds(wbase, PER_W)], didx)
    pltpu.sync_copy(typ_hbm.at[pl.ds(wbase, PER_W)], tidx)
    pltpu.sync_copy(rel_hbm, rel_v)

    def issue(b, parity):
        sb, db, sem = bufs[parity]
        sl = pl.ds(b * BLK, BLK)
        pltpu.async_copy(z_hbm.at[sidx.at[sl]], sb, sem)
        pltpu.async_copy(z_hbm.at[didx.at[sl]], db, sem)

    def drain(b, parity):
        sb, db, sem = bufs[parity]
        sl = pl.ds(b * BLK, BLK)
        pltpu.make_async_copy(z_hbm.at[sidx.at[sl]], sb, sem).wait()
        pltpu.make_async_copy(z_hbm.at[didx.at[sl]], db, sem).wait()

    def compute_blk(b, parity):
        sb, db, _ = bufs[parity]
        obase = b * BLK

        def group(g, _):
            rows = g * 16 + lanes
            tv = tidx[pl.ds(obase + g * 16, 16)]

            def wstep(w, carry):
                cols, acc0, acc1 = carry
                s = plsc.bitcast(plsc.load_gather(sb, [rows, cols]),
                                 jnp.bfloat16)
                d = plsc.bitcast(plsc.load_gather(db, [rows, cols]),
                                 jnp.bfloat16)
                r = plsc.bitcast(plsc.load_gather(rel_v, [tv, cols]),
                                 jnp.bfloat16)
                p = s * d * r
                p0, p1 = plsc.unpack(p, format=plsc.PackFormat.INTERLEAVED)
                return (cols + 1) & (HW - 1), acc0 + p0, acc1 + p1

            z16 = jnp.zeros((16,), jnp.float32)
            _, acc0, acc1 = lax.fori_loop(0, HW, wstep, (lanes, z16, z16),
                                          unroll=4)
            obuf[pl.ds(obase + g * 16, 16)] = acc0 + acc1
            return 0

        lax.fori_loop(0, BLK // 16, group, 0)

    issue(0, 0)

    def pair(i, _):
        b0 = 2 * i
        b1 = 2 * i + 1
        drain(b0, 0)
        issue(b1, 1)
        compute_blk(b0, 0)
        drain(b1, 1)
        issue(b1 + 1, 0)
        compute_blk(b1, 1)
        return 0

    lax.fori_loop(0, NBLK // 2, pair, 0)

    drain(NBLK - 1, 0)
    compute_blk(NBLK - 1, 0)

    pltpu.sync_copy(obuf, out_hbm.at[pl.ds(wbase, PER_W)])


@jax.jit
def _run(src, dst, typ, z, rel_emb):
    mesh = plsc.VectorSubcoreMesh(core_axis_name="c", subcore_axis_name="s",
                                  num_cores=NC, num_subcores=NS)
    kern = pl.kernel(
        _body,
        out_type=jax.ShapeDtypeStruct((NUM_EDGES,), jnp.float32),
        mesh=mesh,
        compiler_params=pltpu.CompilerParams(needs_layout_passes=False,
                                             use_tc_tiling_on_sc=False),
        scratch_types=[
            pltpu.VMEM((PER_W,), jnp.int32),
            pltpu.VMEM((PER_W,), jnp.int32),
            pltpu.VMEM((PER_W,), jnp.int32),
            pltpu.VMEM((NUM_RELS, HW), jnp.int32),
            pltpu.VMEM((BLK, HW), jnp.int32),
            pltpu.VMEM((BLK, HW), jnp.int32),
            pltpu.VMEM((BLK, HW), jnp.int32),
            pltpu.VMEM((BLK, HW), jnp.int32),
            pltpu.VMEM((PER_W,), jnp.float32),
            pltpu.SemaphoreType.DMA,
            pltpu.SemaphoreType.DMA,
        ],
    )
    return kern(src, dst, typ, z, rel_emb)


def _as_i32_rows(t):
    n = t.shape[0]
    return lax.bitcast_convert_type(
        t.astype(jnp.bfloat16).reshape(n, HW, 2), jnp.int32)


def kernel(z, edge_index, edge_type, rel_emb):
    src = edge_index[0].astype(jnp.int32)
    dst = edge_index[1].astype(jnp.int32)
    typ = edge_type.astype(jnp.int32)
    return _run(src, dst, typ, _as_i32_rows(z), _as_i32_rows(rel_emb))

# --- scband reference (transcript-rebuilt; emitter-appended) ---
"""Pipeline reference for scband-dist-mult-decoder-25984552141046 (READ-ONLY COPY).

The authoritative reference and input builder live on the scoring server;
editing this copy changes nothing except your own understanding.
"""

import jax, jax.numpy as jnp
import numpy as np

NUM_NODES = 10000
NUM_EDGES = 320000
NUM_RELATIONS = 500
HIDDEN = 128

def setup_inputs(seed: int = 0) -> dict:
    key = jax.random.key(seed)
    k1, k2, k3, k4 = jax.random.split(key, 4)
    z = jax.random.normal(k1, (NUM_NODES, HIDDEN), dtype=jnp.float32)
    edge_index = jax.random.randint(k2, (2, NUM_EDGES), 0, NUM_NODES, dtype=jnp.int64)
    edge_type = jax.random.randint(k3, (NUM_EDGES,), 0, NUM_RELATIONS, dtype=jnp.int64)
    # learned parameter: relation embedding table, init like torch.rand (uniform [0,1))
    rel_emb = jax.random.uniform(k4, (NUM_RELATIONS, HIDDEN), dtype=jnp.float32)
    return {"z": z, "edge_index": edge_index, "edge_type": edge_type, "rel_emb": rel_emb}

def reference(z, edge_index, edge_type, rel_emb):
    src = edge_index[0]
    dst = edge_index[1]
    z_src = jnp.take(z, src, axis=0)
    z_dst = jnp.take(z, dst, axis=0)
    rel = jnp.take(rel_emb, edge_type, axis=0)
    return jnp.sum(z_src * rel * z_dst, axis=1)

if __name__ == "__main__":
    import jax
    _d = setup_inputs()
    print(jax.jit(kernel)(*tuple(_d.values())))

</pallas_src>

<mosaic_0001>
#map = affine_map<(d0, d1) -> (0)>
#map1 = affine_map<(d0, d1) -> (0, 0)>
module attributes {stable_mosaic.version = 14 : i64} {
  func.func @_body(%arg0: i32, %arg1: i32, %arg2: memref<320000xi32, #tpu.memory_space<hbm>>, %arg3: memref<320000xi32, #tpu.memory_space<hbm>>, %arg4: memref<320000xi32, #tpu.memory_space<hbm>>, %arg5: memref<10000x64xi32, #tpu.memory_space<hbm>>, %arg6: memref<500x64xi32, #tpu.memory_space<hbm>>, %arg7: memref<320000xf32, #tpu.memory_space<hbm>>, %arg8: memref<10000xi32, #tpu.memory_space<vmem>>, %arg9: memref<10000xi32, #tpu.memory_space<vmem>>, %arg10: memref<10000xi32, #tpu.memory_space<vmem>>, %arg11: memref<500x64xi32, #tpu.memory_space<vmem>>, %arg12: memref<80x64xi32, #tpu.memory_space<vmem>>, %arg13: memref<80x64xi32, #tpu.memory_space<vmem>>, %arg14: memref<80x64xi32, #tpu.memory_space<vmem>>, %arg15: memref<80x64xi32, #tpu.memory_space<vmem>>, %arg16: memref<10000xf32, #tpu.memory_space<vmem>>, %arg17: memref<!tpu.dma_semaphore, #tpu.memory_space<semaphore_mem>>, %arg18: memref<!tpu.dma_semaphore, #tpu.memory_space<semaphore_mem>>) attributes {dimension_semantics = [#tpu.dimension_semantics<core_parallel>, #tpu.dimension_semantics<subcore_parallel>], iteration_bounds = array<i64: 2, 16>, scalar_prefetch = 0 : i64, scratch_operands = 11 : i64, tpu.core_type = #tpu.core_type<sc_vector_subcore>, window_params = [{transform_indices = #map}, {transform_indices = #map}, {transform_indices = #map}, {transform_indices = #map1}, {transform_indices = #map1}, {transform_indices = #map}]} {
    %mul3A = arith.constant 2 : i32
    %mul3A_0 = arith.muli %arg1, %mul3A : i32
    %add3A = arith.addi %mul3A_0, %arg0 : i32
    %mul3A_1 = arith.constant 10000 : i32
    %mul3A_2 = arith.muli %add3A, %mul3A_1 : i32
    %iota3A = tpu.iota {dimensions = array<i32: 0>} : vector<16xi32>
    %eq3A = arith.constant 15 : i32
    %eq3A_3 = vector.broadcast %eq3A : i32 to vector<16xi32>
    %eq3A_4 = arith.cmpi eq, %iota3A, %eq3A_3 : vector<16xi32>
    "tpu.region"() ({
      %run_scoped3A = tpu.sem_alloc : memref<!tpu.dma_semaphore, #tpu.memory_space<semaphore_mem>>
      %dma_start3A_36 = tpu.memref_slice %arg2[%mul3A_2] : memref<320000xi32, #tpu.memory_space<hbm>> -> memref<10000xi32, #tpu.memory_space<hbm>>
      %dma_start3A_37 = tpu.memref_slice %arg2[%mul3A_2] : memref<320000xi32, #tpu.memory_space<hbm>> -> memref<10000xi32, #tpu.memory_space<hbm>>
      tpu.enqueue_dma source(%dma_start3A_37 : memref<10000xi32, #tpu.memory_space<hbm>>) target(%arg8 : memref<10000xi32, #tpu.memory_space<vmem>>) target_semaphore(%run_scoped3A : memref<!tpu.dma_semaphore, #tpu.memory_space<semaphore_mem>>)
      %dma_wait3A_38 = tpu.memref_slice %arg2[%mul3A_2] : memref<320000xi32, #tpu.memory_space<hbm>> -> memref<10000xi32, #tpu.memory_space<hbm>>
      %dma_wait3A_39 = tpu.memref_slice %arg2[%mul3A_2] : memref<320000xi32, #tpu.memory_space<hbm>> -> memref<10000xi32, #tpu.memory_space<hbm>>
      tpu.wait_dma2 semaphore(%run_scoped3A : memref<!tpu.dma_semaphore, #tpu.memory_space<semaphore_mem>>) src(%dma_wait3A_39 : memref<10000xi32, #tpu.memory_space<hbm>>) dst(%arg8 : memref<10000xi32, #tpu.memory_space<vmem>>)
      tpu.yield
    }) : () -> ()
    "tpu.region"() ({
      %run_scoped3A = tpu.sem_alloc : memref<!tpu.dma_semaphore, #tpu.memory_space<semaphore_mem>>
      %dma_start3A_36 = tpu.memref_slice %arg3[%mul3A_2] : memref<320000xi32, #tpu.memory_space<hbm>> -> memref<10000xi32, #tpu.memory_space<hbm>>
      %dma_start3A_37 = tpu.memref_slice %arg3[%mul3A_2] : memref<320000xi32, #tpu.memory_space<hbm>> -> memref<10000xi32, #tpu.memory_space<hbm>>
      tpu.enqueue_dma source(%dma_start3A_37 : memref<10000xi32, #tpu.memory_space<hbm>>) target(%arg9 : memref<10000xi32, #tpu.memory_space<vmem>>) target_semaphore(%run_scoped3A : memref<!tpu.dma_semaphore, #tpu.memory_space<semaphore_mem>>)
      %dma_wait3A_38 = tpu.memref_slice %arg3[%mul3A_2] : memref<320000xi32, #tpu.memory_space<hbm>> -> memref<10000xi32, #tpu.memory_space<hbm>>
      %dma_wait3A_39 = tpu.memref_slice %arg3[%mul3A_2] : memref<320000xi32, #tpu.memory_space<hbm>> -> memref<10000xi32, #tpu.memory_space<hbm>>
      tpu.wait_dma2 semaphore(%run_scoped3A : memref<!tpu.dma_semaphore, #tpu.memory_space<semaphore_mem>>) src(%dma_wait3A_39 : memref<10000xi32, #tpu.memory_space<hbm>>) dst(%arg9 : memref<10000xi32, #tpu.memory_space<vmem>>)
      tpu.yield
    }) : () -> ()
    "tpu.region"() ({
      %run_scoped3A = tpu.sem_alloc : memref<!tpu.dma_semaphore, #tpu.memory_space<semaphore_mem>>
      %dma_start3A_36 = tpu.memref_slice %arg4[%mul3A_2] : memref<320000xi32, #tpu.memory_space<hbm>> -> memref<10000xi32, #tpu.memory_space<hbm>>
      %dma_start3A_37 = tpu.memref_slice %arg4[%mul3A_2] : memref<320000xi32, #tpu.memory_space<hbm>> -> memref<10000xi32, #tpu.memory_space<hbm>>
      tpu.enqueue_dma source(%dma_start3A_37 : memref<10000xi32, #tpu.memory_space<hbm>>) target(%arg10 : memref<10000xi32, #tpu.memory_space<vmem>>) target_semaphore(%run_scoped3A : memref<!tpu.dma_semaphore, #tpu.memory_space<semaphore_mem>>)
      %dma_wait3A_38 = tpu.memref_slice %arg4[%mul3A_2] : memref<320000xi32, #tpu.memory_space<hbm>> -> memref<10000xi32, #tpu.memory_space<hbm>>
      %dma_wait3A_39 = tpu.memref_slice %arg4[%mul3A_2] : memref<320000xi32, #tpu.memory_space<hbm>> -> memref<10000xi32, #tpu.memory_space<hbm>>
      tpu.wait_dma2 semaphore(%run_scoped3A : memref<!tpu.dma_semaphore, #tpu.memory_space<semaphore_mem>>) src(%dma_wait3A_39 : memref<10000xi32, #tpu.memory_space<hbm>>) dst(%arg10 : memref<10000xi32, #tpu.memory_space<vmem>>)
      tpu.yield
    }) : () -> ()
    "tpu.region"() ({
      %run_scoped3A = tpu.sem_alloc : memref<!tpu.dma_semaphore, #tpu.memory_space<semaphore_mem>>
      tpu.enqueue_dma source(%arg6 : memref<500x64xi32, #tpu.memory_space<hbm>>) target(%arg11 : memref<500x64xi32, #tpu.memory_space<vmem>>) target_semaphore(%run_scoped3A : memref<!tpu.dma_semaphore, #tpu.memory_space<semaphore_mem>>)
      tpu.wait_dma2 semaphore(%run_scoped3A : memref<!tpu.dma_semaphore, #tpu.memory_space<semaphore_mem>>) src(%arg6 : memref<500x64xi32, #tpu.memory_space<hbm>>) dst(%arg11 : memref<500x64xi32, #tpu.memory_space<vmem>>)
      tpu.yield
    }) : () -> ()
    %dma_start3A = arith.constant 0 : i32
    %dma_start3A_5 = tpu.memref_slice %arg8[%dma_start3A] : memref<10000xi32, #tpu.memory_space<vmem>> -> memref<80xi32, #tpu.memory_space<vmem>>
    %dma_start3A_6 = arith.constant 0 : i32
    %dma_start3A_7 = arith.constant 0 : i32
    %dma_start3A_8 = tpu.memref_slice %arg5[%dma_start3A_6, %dma_start3A_7] : memref<10000x64xi32, #tpu.memory_space<hbm>> -> memref<10000x64xi32, #tpu.memory_space<hbm>>
    tpu.enqueue_indirect_dma source(%dma_start3A_8 : memref<10000x64xi32, #tpu.memory_space<hbm>>) target(%arg12 : memref<80x64xi32, #tpu.memory_space<vmem>>) offsets(%dma_start3A_5 : memref<80xi32, #tpu.memory_space<vmem>>) semaphore(%arg17 : memref<!tpu.dma_semaphore, #tpu.memory_space<semaphore_mem>>)
    %dma_start3A_9 = arith.constant 0 : i32
    %dma_start3A_10 = tpu.memref_slice %arg9[%dma_start3A_9] : memref<10000xi32, #tpu.memory_space<vmem>> -> memref<80xi32, #tpu.memory_space<vmem>>
    %dma_start3A_11 = arith.constant 0 : i32
    %dma_start3A_12 = arith.constant 0 : i32
    %dma_start3A_13 = tpu.memref_slice %arg5[%dma_start3A_11, %dma_start3A_12] : memref<10000x64xi32, #tpu.memory_space<hbm>> -> memref<10000x64xi32, #tpu.memory_space<hbm>>
    tpu.enqueue_indirect_dma source(%dma_start3A_13 : memref<10000x64xi32, #tpu.memory_space<hbm>>) target(%arg13 : memref<80x64xi32, #tpu.memory_space<vmem>>) offsets(%dma_start3A_10 : memref<80xi32, #tpu.memory_space<vmem>>) semaphore(%arg17 : memref<!tpu.dma_semaphore, #tpu.memory_space<semaphore_mem>>)
    %scan3A = arith.constant 0 : i32
    %scan3A_14 = arith.constant 0 : i32
    %scan3A_15 = arith.constant 62 : i32
    %scan3A_16 = arith.addi %scan3A_14, %scan3A_15 : i32
    %scan3A_17 = arith.constant 1 : i32
    %scan3A_18 = scf.for %scan3A_36 = %scan3A_14 to %scan3A_16 step %scan3A_17 iter_args(%scan3A_37 = %scan3A) -> (i32)  : i32 {
      %mul3A_38 = arith.constant 2 : i32
      %mul3A_39 = arith.muli %mul3A_38, %scan3A_36 : i32
      %mul3A_40 = arith.constant 2 : i32
      %mul3A_41 = arith.muli %mul3A_40, %scan3A_36 : i32
      %add3A_42 = arith.constant 1 : i32
      %add3A_43 = arith.addi %mul3A_41, %add3A_42 : i32
      %mul3A_44 = arith.constant 80 : i32
      %mul3A_45 = arith.muli %mul3A_39, %mul3A_44 : i32
      %dma_wait3A_46 = tpu.memref_slice %arg8[%mul3A_45] : memref<10000xi32, #tpu.memory_space<vmem>> -> memref<80xi32, #tpu.memory_space<vmem>>
      %dma_wait3A_47 = arith.constant 0 : i32
      %dma_wait3A_48 = arith.constant 0 : i32
      %dma_wait3A_49 = tpu.memref_slice %arg5[%dma_wait3A_47, %dma_wait3A_48] : memref<10000x64xi32, #tpu.memory_space<hbm>> -> memref<10000x64xi32, #tpu.memory_space<hbm>>
      tpu.wait_indirect_dma semaphore(%arg17 : memref<!tpu.dma_semaphore, #tpu.memory_space<semaphore_mem>>) src(%dma_wait3A_49 : memref<10000x64xi32, #tpu.memory_space<hbm>>) dst(%arg12 : memref<80x64xi32, #tpu.memory_space<vmem>>)
      %dma_wait3A_50 = tpu.memref_slice %arg9[%mul3A_45] : memref<10000xi32, #tpu.memory_space<vmem>> -> memref<80xi32, #tpu.memory_space<vmem>>
      %dma_wait3A_51 = arith.constant 0 : i32
      %dma_wait3A_52 = arith.constant 0 : i32
      %dma_wait3A_53 = tpu.memref_slice %arg5[%dma_wait3A_51, %dma_wait3A_52] : memref<10000x64xi32, #tpu.memory_space<hbm>> -> memref<10000x64xi32, #tpu.memory_space<hbm>>
      tpu.wait_indirect_dma semaphore(%arg17 : memref<!tpu.dma_semaphore, #tpu.memory_space<semaphore_mem>>) src(%dma_wait3A_53 : memref<10000x64xi32, #tpu.memory_space<hbm>>) dst(%arg13 : memref<80x64xi32, #tpu.memory_space<vmem>>)
      %mul3A_54 = arith.constant 80 : i32
      %mul3A_55 = arith.muli %add3A_43, %mul3A_54 : i32
      %dma_start3A_56 = tpu.memref_slice %arg8[%mul3A_55] : memref<10000xi32, #tpu.memory_space<vmem>> -> memref<80xi32, #tpu.memory_space<vmem>>
      %dma_start3A_57 = arith.constant 0 : i32
      %dma_start3A_58 = arith.constant 0 : i32
      %dma_start3A_59 = tpu.memref_slice %arg5[%dma_start3A_57, %dma_start3A_58] : memref<10000x64xi32, #tpu.memory_space<hbm>> -> memref<10000x64xi32, #tpu.memory_space<hbm>>
      tpu.enqueue_indirect_dma source(%dma_start3A_59 : memref<10000x64xi32, #tpu.memory_space<hbm>>) target(%arg14 : memref<80x64xi32, #tpu.memory_space<vmem>>) offsets(%dma_start3A_56 : memref<80xi32, #tpu.memory_space<vmem>>) semaphore(%arg18 : memref<!tpu.dma_semaphore, #tpu.memory_space<semaphore_mem>>)
      %dma_start3A_60 = tpu.memref_slice %arg9[%mul3A_55] : memref<10000xi32, #tpu.memory_space<vmem>> -> memref<80xi32, #tpu.memory_space<vmem>>
      %dma_start3A_61 = arith.constant 0 : i32
      %dma_start3A_62 = arith.constant 0 : i32
      %dma_start3A_63 = tpu.memref_slice %arg5[%dma_start3A_61, %dma_start3A_62] : memref<10000x64xi32, #tpu.memory_space<hbm>> -> memref<10000x64xi32, #tpu.memory_space<hbm>>
      tpu.enqueue_indirect_dma source(%dma_start3A_63 : memref<10000x64xi32, #tpu.memory_space<hbm>>) target(%arg15 : memref<80x64xi32, #tpu.memory_space<vmem>>) offsets(%dma_start3A_60 : memref<80xi32, #tpu.memory_space<vmem>>) semaphore(%arg18 : memref<!tpu.dma_semaphore, #tpu.memory_space<semaphore_mem>>)
      %mul3A_64 = arith.constant 80 : i32
      %mul3A_65 = arith.muli %mul3A_39, %mul3A_64 : i32
      %scan3A_66 = arith.constant 0 : i32
      %scan3A_67 = arith.constant 0 : i32
      %scan3A_68 = arith.constant 5 : i32
      %scan3A_69 = arith.addi %scan3A_67, %scan3A_68 : i32
      %scan3A_70 = arith.constant 1 : i32
      %scan3A_71 = scf.for %scan3A_105 = %scan3A_67 to %scan3A_69 step %scan3A_70 iter_args(%scan3A_106 = %scan3A_66) -> (i32)  : i32 {
        %mul3A_107 = arith.constant 16 : i32
        %mul3A_108 = arith.muli %scan3A_105, %mul3A_107 : i32
        %add3A_109 = vector.broadcast %mul3A_108 : i32 to vector<16xi32>
        %add3A_110 = arith.addi %add3A_109, %iota3A : vector<16xi32>
        %mul3A_111 = arith.constant 16 : i32
        %mul3A_112 = arith.muli %scan3A_105, %mul3A_111 : i32
        %add3A_113 = arith.addi %mul3A_65, %mul3A_112 : i32
        %get3A = arith.index_cast %add3A_113 : i32 to index
        %get3A_114 = tpu.vector_load %arg10[%get3A] {strides = array<i32>} : memref<10000xi32, #tpu.memory_space<vmem>>, vector<16xi32>,
        %broadcast_in_dim3A = arith.constant 0.000000e+00 : f32
        %broadcast_in_dim3A_115 = vector.broadcast %broadcast_in_dim3A : f32 to vector<16xf32>
        %scan3A_116 = arith.constant 0 : i32
        %scan3A_117 = arith.constant 64 : i32
        %scan3A_118 = arith.addi %scan3A_116, %scan3A_117 : i32
        %scan3A_119 = arith.constant 4 : i32
        %scan3A_120:3 = scf.for %scan3A_128 = %scan3A_116 to %scan3A_118 step %scan3A_119 iter_args(%scan3A_129 = %iota3A, %scan3A_130 = %broadcast_in_dim3A_115, %scan3A_131 = %broadcast_in_dim3A_115) -> (vector<16xi32>, vector<16xf32>, vector<16xf32>)  : i32 {
          %gather3A = tpu.vector_load_idx %arg12[%add3A_110, %scan3A_129] : memref<80x64xi32, #tpu.memory_space<vmem>>[vector<16xi32>, vector<16xi32>], vector<16xi32>,
          %bitcast3A = vector.bitcast %gather3A : vector<16xi32> to vector<32xbf16>
          %gather3A_132 = tpu.vector_load_idx %arg13[%add3A_110, %scan3A_129] : memref<80x64xi32, #tpu.memory_space<vmem>>[vector<16xi32>, vector<16xi32>], vector<16xi32>,
          %bitcast3A_133 = vector.bitcast %gather3A_132 : vector<16xi32> to vector<32xbf16>
          %gather3A_134 = tpu.vector_load_idx %arg11[%get3A_114, %scan3A_129] : memref<500x64xi32, #tpu.memory_space<vmem>>[vector<16xi32>, vector<16xi32>], vector<16xi32>,
          %bitcast3A_135 = vector.bitcast %gather3A_134 : vector<16xi32> to vector<32xbf16>
          %mul3A_136 = arith.mulf %bitcast3A, %bitcast3A_133 : vector<32xbf16>
          %mul3A_137 = arith.mulf %mul3A_136, %bitcast3A_135 : vector<32xbf16>
          %unpack3A = tpu.unpack_subelements %mul3A_137, 0 {pack_format = #tpu.pack_format<interleaved>} : vector<32xbf16> -> vector<16xf32>
          %unpack3A_138 = tpu.unpack_subelements %mul3A_137, 1 {pack_format = #tpu.pack_format<interleaved>} : vector<32xbf16> -> vector<16xf32>
          %add3A_139 = arith.constant 1 : i32
          %add3A_140 = vector.broadcast %add3A_139 : i32 to vector<16xi32>
          %add3A_141 = arith.addi %scan3A_129, %add3A_140 : vector<16xi32>
          %and3A = arith.constant 63 : i32
          %and3A_142 = vector.broadcast %and3A : i32 to vector<16xi32>
          %and3A_143 = arith.andi %add3A_141, %and3A_142 : vector<16xi32>
          %add3A_144 = arith.addf %scan3A_130, %unpack3A : vector<16xf32>
          %add3A_145 = arith.addf %scan3A_131, %unpack3A_138 : vector<16xf32>
          %scan3A_146 = arith.constant 1 : i32
          %scan3A_147 = arith.addi %scan3A_128, %scan3A_146 : i32
          %gather3A_148 = tpu.vector_load_idx %arg12[%add3A_110, %and3A_143] : memref<80x64xi32, #tpu.memory_space<vmem>>[vector<16xi32>, vector<16xi32>], vector<16xi32>,
          %bitcast3A_149 = vector.bitcast %gather3A_148 : vector<16xi32> to vector<32xbf16>
          %gather3A_150 = tpu.vector_load_idx %arg13[%add3A_110, %and3A_143] : memref<80x64xi32, #tpu.memory_space<vmem>>[vector<16xi32>, vector<16xi32>], vector<16xi32>,
          %bitcast3A_151 = vector.bitcast %gather3A_150 : vector<16xi32> to vector<32xbf16>
          %gather3A_152 = tpu.vector_load_idx %arg11[%get3A_114, %and3A_143] : memref<500x64xi32, #tpu.memory_space<vmem>>[vector<16xi32>, vector<16xi32>], vector<16xi32>,
          %bitcast3A_153 = vector.bitcast %gather3A_152 : vector<16xi32> to vector<32xbf16>
          %mul3A_154 = arith.mulf %bitcast3A_149, %bitcast3A_151 : vector<32xbf16>
          %mul3A_155 = arith.mulf %mul3A_154, %bitcast3A_153 : vector<32xbf16>
          %unpack3A_156 = tpu.unpack_subelements %mul3A_155, 0 {pack_format = #tpu.pack_format<interleaved>} : vector<32xbf16> -> vector<16xf32>
          %unpack3A_157 = tpu.unpack_subelements %mul3A_155, 1 {pack_format = #tpu.pack_format<interleaved>} : vector<32xbf16> -> vector<16xf32>
          %add3A_158 = arith.constant 1 : i32
          %add3A_159 = vector.broadcast %add3A_158 : i32 to vector<16xi32>
          %add3A_160 = arith.addi %and3A_143, %add3A_159 : vector<16xi32>
          %and3A_161 = arith.constant 63 : i32
          %and3A_162 = vector.broadcast %and3A_161 : i32 to vector<16xi32>
          %and3A_163 = arith.andi %add3A_160, %and3A_162 : vector<16xi32>
          %add3A_164 = arith.addf %add3A_144, %unpack3A_156 : vector<16xf32>
          %add3A_165 = arith.addf %add3A_145, %unpack3A_157 : vector<16xf32>
          %scan3A_166 = arith.constant 2 : i32
          %scan3A_167 = arith.addi %scan3A_128, %scan3A_166 : i32
          %gather3A_168 = tpu.vector_load_idx %arg12[%add3A_110, %and3A_163] : memref<80x64xi32, #tpu.memory_space<vmem>>[vector<16xi32>, vector<16xi32>], vector<16xi32>,
          %bitcast3A_169 = vector.bitcast %gather3A_168 : vector<16xi32> to vector<32xbf16>
          %gather3A_170 = tpu.vector_load_idx %arg13[%add3A_110, %and3A_163] : memref<80x64xi32, #tpu.memory_space<vmem>>[vector<16xi32>, vector<16xi32>], vector<16xi32>,
          %bitcast3A_171 = vector.bitcast %gather3A_170 : vector<16xi32> to vector<32xbf16>
          %gather3A_172 = tpu.vector_load_idx %arg11[%get3A_114, %and3A_163] : memref<500x64xi32, #tpu.memory_space<vmem>>[vector<16xi32>, vector<16xi32>], vector<16xi32>,
          %bitcast3A_173 = vector.bitcast %gather3A_172 : vector<16xi32> to vector<32xbf16>
          %mul3A_174 = arith.mulf %bitcast3A_169, %bitcast3A_171 : vector<32xbf16>
          %mul3A_175 = arith.mulf %mul3A_174, %bitcast3A_173 : vector<32xbf16>
          %unpack3A_176 = tpu.unpack_subelements %mul3A_175, 0 {pack_format = #tpu.pack_format<interleaved>} : vector<32xbf16> -> vector<16xf32>
          %unpack3A_177 = tpu.unpack_subelements %mul3A_175, 1 {pack_format = #tpu.pack_format<interleaved>} : vector<32xbf16> -> vector<16xf32>
          %add3A_178 = arith.constant 1 : i32
          %add3A_179 = vector.broadcast %add3A_178 : i32 to vector<16xi32>
          %add3A_180 = arith.addi %and3A_163, %add3A_179 : vector<16xi32>
          %and3A_181 = arith.constant 63 : i32
          %and3A_182 = vector.broadcast %and3A_181 : i32 to vector<16xi32>
          %and3A_183 = arith.andi %add3A_180, %and3A_182 : vector<16xi32>
          %add3A_184 = arith.addf %add3A_164, %unpack3A_176 : vector<16xf32>
          %add3A_185 = arith.addf %add3A_165, %unpack3A_177 : vector<16xf32>
          %scan3A_186 = arith.constant 3 : i32
          %scan3A_187 = arith.addi %scan3A_128, %scan3A_186 : i32
          %gather3A_188 = tpu.vector_load_idx %arg12[%add3A_110, %and3A_183] : memref<80x64xi32, #tpu.memory_space<vmem>>[vector<16xi32>, vector<16xi32>], vector<16xi32>,
          %bitcast3A_189 = vector.bitcast %gather3A_188 : vector<16xi32> to vector<32xbf16>
          %gather3A_190 = tpu.vector_load_idx %arg13[%add3A_110, %and3A_183] : memref<80x64xi32, #tpu.memory_space<vmem>>[vector<16xi32>, vector<16xi32>], vector<16xi32>,
          %bitcast3A_191 = vector.bitcast %gather3A_190 : vector<16xi32> to vector<32xbf16>
          %gather3A_192 = tpu.vector_load_idx %arg11[%get3A_114, %and3A_183] : memref<500x64xi32, #tpu.memory_space<vmem>>[vector<16xi32>, vector<16xi32>], vector<16xi32>,
          %bitcast3A_193 = vector.bitcast %gather3A_192 : vector<16xi32> to vector<32xbf16>
          %mul3A_194 = arith.mulf %bitcast3A_189, %bitcast3A_191 : vector<32xbf16>
          %mul3A_195 = arith.mulf %mul3A_194, %bitcast3A_193 : vector<32xbf16>
          %unpack3A_196 = tpu.unpack_subelements %mul3A_195, 0 {pack_format = #tpu.pack_format<interleaved>} : vector<32xbf16> -> vector<16xf32>
          %unpack3A_197 = tpu.unpack_subelements %mul3A_195, 1 {pack_format = #tpu.pack_format<interleaved>} : vector<32xbf16> -> vector<16xf32>
          %add3A_198 = arith.constant 1 : i32
          %add3A_199 = vector.broadcast %add3A_198 : i32 to vector<16xi32>
          %add3A_200 = arith.addi %and3A_183, %add3A_199 : vector<16xi32>
          %and3A_201 = arith.constant 63 : i32
          %and3A_202 = vector.broadcast %and3A_201 : i32 to vector<16xi32>
          %and3A_203 = arith.andi %add3A_200, %and3A_202 : vector<16xi32>
          %add3A_204 = arith.addf %add3A_184, %unpack3A_196 : vector<16xf32>
          %add3A_205 = arith.addf %add3A_185, %unpack3A_197 : vector<16xf32>
          scf.yield %and3A_203, %add3A_204, %add3A_205 : vector<16xi32>, vector<16xf32>, vector<16xf32>
        }
        %scan3A_121 = arith.constant 64 : i32
        %add3A_122 = arith.addf %scan3A_120#1, %scan3A_120#2 : vector<16xf32>
        %mul3A_123 = arith.constant 16 : i32
        %mul3A_124 = arith.muli %scan3A_105, %mul3A_123 : i32
        %add3A_125 = arith.addi %mul3A_65, %mul3A_124 : i32
        %swap3A = arith.index_cast %add3A_125 : i32 to index
        %swap3A_126 = tpu.vector_load %arg16[%swap3A] {strides = array<i32>} : memref<10000xf32, #tpu.memory_space<vmem>>, vector<16xf32>,
        tpu.vector_store %arg16[%swap3A], %add3A_122 {strides = array<i32>} : memref<10000xf32, #tpu.memory_space<vmem>>, vector<16xf32>,
        %scan3A_127 = arith.constant 0 : i32
        scf.yield %scan3A_127 : i32
      }
      %scan3A_72 = arith.constant 5 : i32
      %mul3A_73 = arith.constant 80 : i32
      %mul3A_74 = arith.muli %add3A_43, %mul3A_73 : i32
      %dma_wait3A_75 = tpu.memref_slice %arg8[%mul3A_74] : memref<10000xi32, #tpu.memory_space<vmem>> -> memref<80xi32, #tpu.memory_space<vmem>>
      %dma_wait3A_76 = arith.constant 0 : i32
      %dma_wait3A_77 = arith.constant 0 : i32
      %dma_wait3A_78 = tpu.memref_slice %arg5[%dma_wait3A_76, %dma_wait3A_77] : memref<10000x64xi32, #tpu.memory_space<hbm>> -> memref<10000x64xi32, #tpu.memory_space<hbm>>
      tpu.wait_indirect_dma semaphore(%arg18 : memref<!tpu.dma_semaphore, #tpu.memory_space<semaphore_mem>>) src(%dma_wait3A_78 : memref<10000x64xi32, #tpu.memory_space<hbm>>) dst(%arg14 : memref<80x64xi32, #tpu.memory_space<vmem>>)
      %dma_wait3A_79 = tpu.memref_slice %arg9[%mul3A_74] : memref<10000xi32, #tpu.memory_space<vmem>> -> memref<80xi32, #tpu.memory_space<vmem>>
      %dma_wait3A_80 = arith.constant 0 : i32
      %dma_wait3A_81 = arith.constant 0 : i32
      %dma_wait3A_82 = tpu.memref_slice %arg5[%dma_wait3A_80, %dma_wait3A_81] : memref<10000x64xi32, #tpu.memory_space<hbm>> -> memref<10000x64xi32, #tpu.memory_space<hbm>>
      tpu.wait_indirect_dma semaphore(%arg18 : memref<!tpu.dma_semaphore, #tpu.memory_space<semaphore_mem>>) src(%dma_wait3A_82 : memref<10000x64xi32, #tpu.memory_space<hbm>>) dst(%arg15 : memref<80x64xi32, #tpu.memory_space<vmem>>)
      %add3A_83 = arith.constant 1 : i32
      %add3A_84 = arith.addi %add3A_43, %add3A_83 : i32
      %mul3A_85 = arith.constant 80 : i32
      %mul3A_86 = arith.muli %add3A_84, %mul3A_85 : i32
      %dma_start3A_87 = tpu.memref_slice %arg8[%mul3A_86] : memref<10000xi32, #tpu.memory_space<vmem>> -> memref<80xi32, #tpu.memory_space<vmem>>
      %dma_start3A_88 = arith.constant 0 : i32
      %dma_start3A_89 = arith.constant 0 : i32
      %dma_start3A_90 = tpu.memref_slice %arg5[%dma_start3A_88, %dma_start3A_89] : memref<10000x64xi32, #tpu.memory_space<hbm>> -> memref<10000x64xi32, #tpu.memory_space<hbm>>
      tpu.enqueue_indirect_dma source(%dma_start3A_90 : memref<10000x64xi32, #tpu.memory_space<hbm>>) target(%arg12 : memref<80x64xi32, #tpu.memory_space<vmem>>) offsets(%dma_start3A_87 : memref<80xi32, #tpu.memory_space<vmem>>) semaphore(%arg17 : memref<!tpu.dma_semaphore, #tpu.memory_space<semaphore_mem>>)
      %dma_start3A_91 = tpu.memref_slice %arg9[%mul3A_86] : memref<10000xi32, #tpu.memory_space<vmem>> -> memref<80xi32, #tpu.memory_space<vmem>>
      %dma_start3A_92 = arith.constant 0 : i32
      %dma_start3A_93 = arith.constant 0 : i32
      %dma_start3A_94 = tpu.memref_slice %arg5[%dma_start3A_92, %dma_start3A_93] : memref<10000x64xi32, #tpu.memory_space<hbm>> -> memref<10000x64xi32, #tpu.memory_space<hbm>>
      tpu.enqueue_indirect_dma source(%dma_start3A_94 : memref<10000x64xi32, #tpu.memory_space<hbm>>) target(%arg13 : memref<80x64xi32, #tpu.memory_space<vmem>>) offsets(%dma_start3A_91 : memref<80xi32, #tpu.memory_space<vmem>>) semaphore(%arg17 : memref<!tpu.dma_semaphore, #tpu.memory_space<semaphore_mem>>)
      %mul3A_95 = arith.constant 80 : i32
      %mul3A_96 = arith.muli %add3A_43, %mul3A_95 : i32
      %scan3A_97 = arith.constant 0 : i32
      %scan3A_98 = arith.constant 0 : i32
      %scan3A_99 = arith.constant 5 : i32
      %scan3A_100 = arith.addi %scan3A_98, %scan3A_99 : i32
      %scan3A_101 = arith.constant 1 : i32
      %scan3A_102 = scf.for %scan3A_105 = %scan3A_98 to %scan3A_100 step %scan3A_101 iter_args(%scan3A_106 = %scan3A_97) -> (i32)  : i32 {
        %mul3A_107 = arith.constant 16 : i32
        %mul3A_108 = arith.muli %scan3A_105, %mul3A_107 : i32
        %add3A_109 = vector.broadcast %mul3A_108 : i32 to vector<16xi32>
        %add3A_110 = arith.addi %add3A_109, %iota3A : vector<16xi32>
        %mul3A_111 = arith.constant 16 : i32
        %mul3A_112 = arith.muli %scan3A_105, %mul3A_111 : i32
        %add3A_113 = arith.addi %mul3A_96, %mul3A_112 : i32
        %get3A = arith.index_cast %add3A_113 : i32 to index
        %get3A_114 = tpu.vector_load %arg10[%get3A] {strides = array<i32>} : memref<10000xi32, #tpu.memory_space<vmem>>, vector<16xi32>,
        %broadcast_in_dim3A = arith.constant 0.000000e+00 : f32
        %broadcast_in_dim3A_115 = vector.broadcast %broadcast_in_dim3A : f32 to vector<16xf32>
        %scan3A_116 = arith.constant 0 : i32
        %scan3A_117 = arith.constant 64 : i32
        %scan3A_118 = arith.addi %scan3A_116, %scan3A_117 : i32
        %scan3A_119 = arith.constant 4 : i32
        %scan3A_120:3 = scf.for %scan3A_128 = %scan3A_116 to %scan3A_118 step %scan3A_119 iter_args(%scan3A_129 = %iota3A, %scan3A_130 = %broadcast_in_dim3A_115, %scan3A_131 = %broadcast_in_dim3A_115) -> (vector<16xi32>, vector<16xf32>, vector<16xf32>)  : i32 {
          %gather3A = tpu.vector_load_idx %arg14[%add3A_110, %scan3A_129] : memref<80x64xi32, #tpu.memory_space<vmem>>[vector<16xi32>, vector<16xi32>], vector<16xi32>,
          %bitcast3A = vector.bitcast %gather3A : vector<16xi32> to vector<32xbf16>
          %gather3A_132 = tpu.vector_load_idx %arg15[%add3A_110, %scan3A_129] : memref<80x64xi32, #tpu.memory_space<vmem>>[vector<16xi32>, vector<16xi32>], vector<16xi32>,
          %bitcast3A_133 = vector.bitcast %gather3A_132 : vector<16xi32> to vector<32xbf16>
          %gather3A_134 = tpu.vector_load_idx %arg11[%get3A_114, %scan3A_129] : memref<500x64xi32, #tpu.memory_space<vmem>>[vector<16xi32>, vector<16xi32>], vector<16xi32>,
          %bitcast3A_135 = vector.bitcast %gather3A_134 : vector<16xi32> to vector<32xbf16>
          %mul3A_136 = arith.mulf %bitcast3A, %bitcast3A_133 : vector<32xbf16>
          %mul3A_137 = arith.mulf %mul3A_136, %bitcast3A_135 : vector<32xbf16>
          %unpack3A = tpu.unpack_subelements %mul3A_137, 0 {pack_format = #tpu.pack_format<interleaved>} : vector<32xbf16> -> vector<16xf32>
          %unpack3A_138 = tpu.unpack_subelements %mul3A_137, 1 {pack_format = #tpu.pack_format<interleaved>} : vector<32xbf16> -> vector<16xf32>
          %add3A_139 = arith.constant 1 : i32
          %add3A_140 = vector.broadcast %add3A_139 : i32 to vector<16xi32>
          %add3A_141 = arith.addi %scan3A_129, %add3A_140 : vector<16xi32>
          %and3A = arith.constant 63 : i32
          %and3A_142 = vector.broadcast %and3A : i32 to vector<16xi32>
          %and3A_143 = arith.andi %add3A_141, %and3A_142 : vector<16xi32>
          %add3A_144 = arith.addf %scan3A_130, %unpack3A : vector<16xf32>
          %add3A_145 = arith.addf %scan3A_131, %unpack3A_138 : vector<16xf32>
          %scan3A_146 = arith.constant 1 : i32
          %scan3A_147 = arith.addi %scan3A_128, %scan3A_146 : i32
          %gather3A_148 = tpu.vector_load_idx %arg14[%add3A_110, %and3A_143] : memref<80x64xi32, #tpu.memory_space<vmem>>[vector<16xi32>, vector<16xi32>], vector<16xi32>,
          %bitcast3A_149 = vector.bitcast %gather3A_148 : vector<16xi32> to vector<32xbf16>
          %gather3A_150 = tpu.vector_load_idx %arg15[%add3A_110, %and3A_143] : memref<80x64xi32, #tpu.memory_space<vmem>>[vector<16xi32>, vector<16xi32>], vector<16xi32>,
          %bitcast3A_151 = vector.bitcast %gather3A_150 : vector<16xi32> to vector<32xbf16>
          %gather3A_152 = tpu.vector_load_idx %arg11[%get3A_114, %and3A_143] : memref<500x64xi32, #tpu.memory_space<vmem>>[vector<16xi32>, vector<16xi32>], vector<16xi32>,
          %bitcast3A_153 = vector.bitcast %gather3A_152 : vector<16xi32> to vector<32xbf16>
          %mul3A_154 = arith.mulf %bitcast3A_149, %bitcast3A_151 : vector<32xbf16>
          %mul3A_155 = arith.mulf %mul3A_154, %bitcast3A_153 : vector<32xbf16>
          %unpack3A_156 = tpu.unpack_subelements %mul3A_155, 0 {pack_format = #tpu.pack_format<interleaved>} : vector<32xbf16> -> vector<16xf32>
          %unpack3A_157 = tpu.unpack_subelements %mul3A_155, 1 {pack_format = #tpu.pack_format<interleaved>} : vector<32xbf16> -> vector<16xf32>
          %add3A_158 = arith.constant 1 : i32
          %add3A_159 = vector.broadcast %add3A_158 : i32 to vector<16xi32>
          %add3A_160 = arith.addi %and3A_143, %add3A_159 : vector<16xi32>
          %and3A_161 = arith.constant 63 : i32
          %and3A_162 = vector.broadcast %and3A_161 : i32 to vector<16xi32>
          %and3A_163 = arith.andi %add3A_160, %and3A_162 : vector<16xi32>
          %add3A_164 = arith.addf %add3A_144, %unpack3A_156 : vector<16xf32>
          %add3A_165 = arith.addf %add3A_145, %unpack3A_157 : vector<16xf32>
          %scan3A_166 = arith.constant 2 : i32
          %scan3A_167 = arith.addi %scan3A_128, %scan3A_166 : i32
          %gather3A_168 = tpu.vector_load_idx %arg14[%add3A_110, %and3A_163] : memref<80x64xi32, #tpu.memory_space<vmem>>[vector<16xi32>, vector<16xi32>], vector<16xi32>,
          %bitcast3A_169 = vector.bitcast %gather3A_168 : vector<16xi32> to vector<32xbf16>
          %gather3A_170 = tpu.vector_load_idx %arg15[%add3A_110, %and3A_163] : memref<80x64xi32, #tpu.memory_space<vmem>>[vector<16xi32>, vector<16xi32>], vector<16xi32>,
          %bitcast3A_171 = vector.bitcast %gather3A_170 : vector<16xi32> to vector<32xbf16>
          %gather3A_172 = tpu.vector_load_idx %arg11[%get3A_114, %and3A_163] : memref<500x64xi32, #tpu.memory_space<vmem>>[vector<16xi32>, vector<16xi32>], vector<16xi32>,
          %bitcast3A_173 = vector.bitcast %gather3A_172 : vector<16xi32> to vector<32xbf16>
          %mul3A_174 = arith.mulf %bitcast3A_169, %bitcast3A_171 : vector<32xbf16>
          %mul3A_175 = arith.mulf %mul3A_174, %bitcast3A_173 : vector<32xbf16>
          %unpack3A_176 = tpu.unpack_subelements %mul3A_175, 0 {pack_format = #tpu.pack_format<interleaved>} : vector<32xbf16> -> vector<16xf32>
          %unpack3A_177 = tpu.unpack_subelements %mul3A_175, 1 {pack_format = #tpu.pack_format<interleaved>} : vector<32xbf16> -> vector<16xf32>
          %add3A_178 = arith.constant 1 : i32
          %add3A_179 = vector.broadcast %add3A_178 : i32 to vector<16xi32>
          %add3A_180 = arith.addi %and3A_163, %add3A_179 : vector<16xi32>
          %and3A_181 = arith.constant 63 : i32
          %and3A_182 = vector.broadcast %and3A_181 : i32 to vector<16xi32>
          %and3A_183 = arith.andi %add3A_180, %and3A_182 : vector<16xi32>
          %add3A_184 = arith.addf %add3A_164, %unpack3A_176 : vector<16xf32>
          %add3A_185 = arith.addf %add3A_165, %unpack3A_177 : vector<16xf32>
          %scan3A_186 = arith.constant 3 : i32
          %scan3A_187 = arith.addi %scan3A_128, %scan3A_186 : i32
          %gather3A_188 = tpu.vector_load_idx %arg14[%add3A_110, %and3A_183] : memref<80x64xi32, #tpu.memory_space<vmem>>[vector<16xi32>, vector<16xi32>], vector<16xi32>,
          %bitcast3A_189 = vector.bitcast %gather3A_188 : vector<16xi32> to vector<32xbf16>
          %gather3A_190 = tpu.vector_load_idx %arg15[%add3A_110, %and3A_183] : memref<80x64xi32, #tpu.memory_space<vmem>>[vector<16xi32>, vector<16xi32>], vector<16xi32>,
          %bitcast3A_191 = vector.bitcast %gather3A_190 : vector<16xi32> to vector<32xbf16>
          %gather3A_192 = tpu.vector_load_idx %arg11[%get3A_114, %and3A_183] : memref<500x64xi32, #tpu.memory_space<vmem>>[vector<16xi32>, vector<16xi32>], vector<16xi32>,
          %bitcast3A_193 = vector.bitcast %gather3A_192 : vector<16xi32> to vector<32xbf16>
          %mul3A_194 = arith.mulf %bitcast3A_189, %bitcast3A_191 : vector<32xbf16>
          %mul3A_195 = arith.mulf %mul3A_194, %bitcast3A_193 : vector<32xbf16>
          %unpack3A_196 = tpu.unpack_subelements %mul3A_195, 0 {pack_format = #tpu.pack_format<interleaved>} : vector<32xbf16> -> vector<16xf32>
          %unpack3A_197 = tpu.unpack_subelements %mul3A_195, 1 {pack_format = #tpu.pack_format<interleaved>} : vector<32xbf16> -> vector<16xf32>
          %add3A_198 = arith.constant 1 : i32
          %add3A_199 = vector.broadcast %add3A_198 : i32 to vector<16xi32>
          %add3A_200 = arith.addi %and3A_183, %add3A_199 : vector<16xi32>
          %and3A_201 = arith.constant 63 : i32
          %and3A_202 = vector.broadcast %and3A_201 : i32 to vector<16xi32>
          %and3A_203 = arith.andi %add3A_200, %and3A_202 : vector<16xi32>
          %add3A_204 = arith.addf %add3A_184, %unpack3A_196 : vector<16xf32>
          %add3A_205 = arith.addf %add3A_185, %unpack3A_197 : vector<16xf32>
          scf.yield %and3A_203, %add3A_204, %add3A_205 : vector<16xi32>, vector<16xf32>, vector<16xf32>
        }
        %scan3A_121 = arith.constant 64 : i32
        %add3A_122 = arith.addf %scan3A_120#1, %scan3A_120#2 : vector<16xf32>
        %mul3A_123 = arith.constant 16 : i32
        %mul3A_124 = arith.muli %scan3A_105, %mul3A_123 : i32
        %add3A_125 = arith.addi %mul3A_96, %mul3A_124 : i32
        %swap3A = arith.index_cast %add3A_125 : i32 to index
        %swap3A_126 = tpu.vector_load %arg16[%swap3A] {strides = array<i32>} : memref<10000xf32, #tpu.memory_space<vmem>>, vector<16xf32>,
        tpu.vector_store %arg16[%swap3A], %add3A_122 {strides = array<i32>} : memref<10000xf32, #tpu.memory_space<vmem>>, vector<16xf32>,
        %scan3A_127 = arith.constant 0 : i32
        scf.yield %scan3A_127 : i32
      }
      %scan3A_103 = arith.constant 5 : i32
      %scan3A_104 = arith.constant 0 : i32
      scf.yield %scan3A_104 : i32
    }
    %scan3A_19 = arith.constant 62 : i32
    %dma_wait3A = arith.constant 9920 : i32
    %dma_wait3A_20 = tpu.memref_slice %arg8[%dma_wait3A] : memref<10000xi32, #tpu.memory_space<vmem>> -> memref<80xi32, #tpu.memory_space<vmem>>
    %dma_wait3A_21 = arith.constant 0 : i32
    %dma_wait3A_22 = arith.constant 0 : i32
    %dma_wait3A_23 = tpu.memref_slice %arg5[%dma_wait3A_21, %dma_wait3A_22] : memref<10000x64xi32, #tpu.memory_space<hbm>> -> memref<10000x64xi32, #tpu.memory_space<hbm>>
    tpu.wait_indirect_dma semaphore(%arg17 : memref<!tpu.dma_semaphore, #tpu.memory_space<semaphore_mem>>) src(%dma_wait3A_23 : memref<10000x64xi32, #tpu.memory_space<hbm>>) dst(%arg12 : memref<80x64xi32, #tpu.memory_space<vmem>>)
    %dma_wait3A_24 = arith.constant 9920 : i32
    %dma_wait3A_25 = tpu.memref_slice %arg9[%dma_wait3A_24] : memref<10000xi32, #tpu.memory_space<vmem>> -> memref<80xi32, #tpu.memory_space<vmem>>
    %dma_wait3A_26 = arith.constant 0 : i32
    %dma_wait3A_27 = arith.constant 0 : i32
    %dma_wait3A_28 = tpu.memref_slice %arg5[%dma_wait3A_26, %dma_wait3A_27] : memref<10000x64xi32, #tpu.memory_space<hbm>> -> memref<10000x64xi32, #tpu.memory_space<hbm>>
    tpu.wait_indirect_dma semaphore(%arg17 : memref<!tpu.dma_semaphore, #tpu.memory_space<semaphore_mem>>) src(%dma_wait3A_28 : memref<10000x64xi32, #tpu.memory_space<hbm>>) dst(%arg13 : memref<80x64xi32, #tpu.memory_space<vmem>>)
    %scan3A_29 = arith.constant 0 : i32
    %scan3A_30 = arith.constant 0 : i32
    %scan3A_31 = arith.constant 5 : i32
    %scan3A_32 = arith.addi %scan3A_30, %scan3A_31 : i32
    %scan3A_33 = arith.constant 1 : i32
    %scan3A_34 = scf.for %scan3A_36 = %scan3A_30 to %scan3A_32 step %scan3A_33 iter_args(%scan3A_37 = %scan3A_29) -> (i32)  : i32 {
      %mul3A_38 = arith.constant 16 : i32
      %mul3A_39 = arith.muli %scan3A_36, %mul3A_38 : i32
      %add3A_40 = vector.broadcast %mul3A_39 : i32 to vector<16xi32>
      %add3A_41 = arith.addi %add3A_40, %iota3A : vector<16xi32>
      %mul3A_42 = arith.constant 16 : i32
      %mul3A_43 = arith.muli %scan3A_36, %mul3A_42 : i32
      %add3A_44 = arith.constant 9920 : i32
      %add3A_45 = arith.addi %add3A_44, %mul3A_43 : i32
      %get3A = arith.index_cast %add3A_45 : i32 to index
      %get3A_46 = tpu.vector_load %arg10[%get3A] {strides = array<i32>} : memref<10000xi32, #tpu.memory_space<vmem>>, vector<16xi32>,
      %broadcast_in_dim3A = arith.constant 0.000000e+00 : f32
      %broadcast_in_dim3A_47 = vector.broadcast %broadcast_in_dim3A : f32 to vector<16xf32>
      %scan3A_48 = arith.constant 0 : i32
      %scan3A_49 = arith.constant 64 : i32
      %scan3A_50 = arith.addi %scan3A_48, %scan3A_49 : i32
      %scan3A_51 = arith.constant 4 : i32
      %scan3A_52:3 = scf.for %scan3A_61 = %scan3A_48 to %scan3A_50 step %scan3A_51 iter_args(%scan3A_62 = %iota3A, %scan3A_63 = %broadcast_in_dim3A_47, %scan3A_64 = %broadcast_in_dim3A_47) -> (vector<16xi32>, vector<16xf32>, vector<16xf32>)  : i32 {
        %gather3A = tpu.vector_load_idx %arg12[%add3A_41, %scan3A_62] : memref<80x64xi32, #tpu.memory_space<vmem>>[vector<16xi32>, vector<16xi32>], vector<16xi32>,
        %bitcast3A = vector.bitcast %gather3A : vector<16xi32> to vector<32xbf16>
        %gather3A_65 = tpu.vector_load_idx %arg13[%add3A_41, %scan3A_62] : memref<80x64xi32, #tpu.memory_space<vmem>>[vector<16xi32>, vector<16xi32>], vector<16xi32>,
        %bitcast3A_66 = vector.bitcast %gather3A_65 : vector<16xi32> to vector<32xbf16>
        %gather3A_67 = tpu.vector_load_idx %arg11[%get3A_46, %scan3A_62] : memref<500x64xi32, #tpu.memory_space<vmem>>[vector<16xi32>, vector<16xi32>], vector<16xi32>,
        %bitcast3A_68 = vector.bitcast %gather3A_67 : vector<16xi32> to vector<32xbf16>
        %mul3A_69 = arith.mulf %bitcast3A, %bitcast3A_66 : vector<32xbf16>
        %mul3A_70 = arith.mulf %mul3A_69, %bitcast3A_68 : vector<32xbf16>
        %unpack3A = tpu.unpack_subelements %mul3A_70, 0 {pack_format = #tpu.pack_format<interleaved>} : vector<32xbf16> -> vector<16xf32>
        %unpack3A_71 = tpu.unpack_subelements %mul3A_70, 1 {pack_format = #tpu.pack_format<interleaved>} : vector<32xbf16> -> vector<16xf32>
        %add3A_72 = arith.constant 1 : i32
        %add3A_73 = vector.broadcast %add3A_72 : i32 to vector<16xi32>
        %add3A_74 = arith.addi %scan3A_62, %add3A_73 : vector<16xi32>
        %and3A = arith.constant 63 : i32
        %and3A_75 = vector.broadcast %and3A : i32 to vector<16xi32>
        %and3A_76 = arith.andi %add3A_74, %and3A_75 : vector<16xi32>
        %add3A_77 = arith.addf %scan3A_63, %unpack3A : vector<16xf32>
        %add3A_78 = arith.addf %scan3A_64, %unpack3A_71 : vector<16xf32>
        %scan3A_79 = arith.constant 1 : i32
        %scan3A_80 = arith.addi %scan3A_61, %scan3A_79 : i32
        %gather3A_81 = tpu.vector_load_idx %arg12[%add3A_41, %and3A_76] : memref<80x64xi32, #tpu.memory_space<vmem>>[vector<16xi32>, vector<16xi32>], vector<16xi32>,
        %bitcast3A_82 = vector.bitcast %gather3A_81 : vector<16xi32> to vector<32xbf16>
        %gather3A_83 = tpu.vector_load_idx %arg13[%add3A_41, %and3A_76] : memref<80x64xi32, #tpu.memory_space<vmem>>[vector<16xi32>, vector<16xi32>], vector<16xi32>,
        %bitcast3A_84 = vector.bitcast %gather3A_83 : vector<16xi32> to vector<32xbf16>
        %gather3A_85 = tpu.vector_load_idx %arg11[%get3A_46, %and3A_76] : memref<500x64xi32, #tpu.memory_space<vmem>>[vector<16xi32>, vector<16xi32>], vector<16xi32>,
        %bitcast3A_86 = vector.bitcast %gather3A_85 : vector<16xi32> to vector<32xbf16>
        %mul3A_87 = arith.mulf %bitcast3A_82, %bitcast3A_84 : vector<32xbf16>
        %mul3A_88 = arith.mulf %mul3A_87, %bitcast3A_86 : vector<32xbf16>
        %unpack3A_89 = tpu.unpack_subelements %mul3A_88, 0 {pack_format = #tpu.pack_format<interleaved>} : vector<32xbf16> -> vector<16xf32>
        %unpack3A_90 = tpu.unpack_subelements %mul3A_88, 1 {pack_format = #tpu.pack_format<interleaved>} : vector<32xbf16> -> vector<16xf32>
        %add3A_91 = arith.constant 1 : i32
        %add3A_92 = vector.broadcast %add3A_91 : i32 to vector<16xi32>
        %add3A_93 = arith.addi %and3A_76, %add3A_92 : vector<16xi32>
        %and3A_94 = arith.constant 63 : i32
        %and3A_95 = vector.broadcast %and3A_94 : i32 to vector<16xi32>
        %and3A_96 = arith.andi %add3A_93, %and3A_95 : vector<16xi32>
        %add3A_97 = arith.addf %add3A_77, %unpack3A_89 : vector<16xf32>
        %add3A_98 = arith.addf %add3A_78, %unpack3A_90 : vector<16xf32>
        %scan3A_99 = arith.constant 2 : i32
        %scan3A_100 = arith.addi %scan3A_61, %scan3A_99 : i32
        %gather3A_101 = tpu.vector_load_idx %arg12[%add3A_41, %and3A_96] : memref<80x64xi32, #tpu.memory_space<vmem>>[vector<16xi32>, vector<16xi32>], vector<16xi32>,
        %bitcast3A_102 = vector.bitcast %gather3A_101 : vector<16xi32> to vector<32xbf16>
        %gather3A_103 = tpu.vector_load_idx %arg13[%add3A_41, %and3A_96] : memref<80x64xi32, #tpu.memory_space<vmem>>[vector<16xi32>, vector<16xi32>], vector<16xi32>,
        %bitcast3A_104 = vector.bitcast %gather3A_103 : vector<16xi32> to vector<32xbf16>
        %gather3A_105 = tpu.vector_load_idx %arg11[%get3A_46, %and3A_96] : memref<500x64xi32, #tpu.memory_space<vmem>>[vector<16xi32>, vector<16xi32>], vector<16xi32>,
        %bitcast3A_106 = vector.bitcast %gather3A_105 : vector<16xi32> to vector<32xbf16>
        %mul3A_107 = arith.mulf %bitcast3A_102, %bitcast3A_104 : vector<32xbf16>
        %mul3A_108 = arith.mulf %mul3A_107, %bitcast3A_106 : vector<32xbf16>
        %unpack3A_109 = tpu.unpack_subelements %mul3A_108, 0 {pack_format = #tpu.pack_format<interleaved>} : vector<32xbf16> -> vector<16xf32>
        %unpack3A_110 = tpu.unpack_subelements %mul3A_108, 1 {pack_format = #tpu.pack_format<interleaved>} : vector<32xbf16> -> vector<16xf32>
        %add3A_111 = arith.constant 1 : i32
        %add3A_112 = vector.broadcast %add3A_111 : i32 to vector<16xi32>
        %add3A_113 = arith.addi %and3A_96, %add3A_112 : vector<16xi32>
        %and3A_114 = arith.constant 63 : i32
        %and3A_115 = vector.broadcast %and3A_114 : i32 to vector<16xi32>
        %and3A_116 = arith.andi %add3A_113, %and3A_115 : vector<16xi32>
        %add3A_117 = arith.addf %add3A_97, %unpack3A_109 : vector<16xf32>
        %add3A_118 = arith.addf %add3A_98, %unpack3A_110 : vector<16xf32>
        %scan3A_119 = arith.constant 3 : i32
        %scan3A_120 = arith.addi %scan3A_61, %scan3A_119 : i32
        %gather3A_121 = tpu.vector_load_idx %arg12[%add3A_41, %and3A_116] : memref<80x64xi32, #tpu.memory_space<vmem>>[vector<16xi32>, vector<16xi32>], vector<16xi32>,
        %bitcast3A_122 = vector.bitcast %gather3A_121 : vector<16xi32> to vector<32xbf16>
        %gather3A_123 = tpu.vector_load_idx %arg13[%add3A_41, %and3A_116] : memref<80x64xi32, #tpu.memory_space<vmem>>[vector<16xi32>, vector<16xi32>], vector<16xi32>,
        %bitcast3A_124 = vector.bitcast %gather3A_123 : vector<16xi32> to vector<32xbf16>
        %gather3A_125 = tpu.vector_load_idx %arg11[%get3A_46, %and3A_116] : memref<500x64xi32, #tpu.memory_space<vmem>>[vector<16xi32>, vector<16xi32>], vector<16xi32>,
        %bitcast3A_126 = vector.bitcast %gather3A_125 : vector<16xi32> to vector<32xbf16>
        %mul3A_127 = arith.mulf %bitcast3A_122, %bitcast3A_124 : vector<32xbf16>
        %mul3A_128 = arith.mulf %mul3A_127, %bitcast3A_126 : vector<32xbf16>
        %unpack3A_129 = tpu.unpack_subelements %mul3A_128, 0 {pack_format = #tpu.pack_format<interleaved>} : vector<32xbf16> -> vector<16xf32>
        %unpack3A_130 = tpu.unpack_subelements %mul3A_128, 1 {pack_format = #tpu.pack_format<interleaved>} : vector<32xbf16> -> vector<16xf32>
        %add3A_131 = arith.constant 1 : i32
        %add3A_132 = vector.broadcast %add3A_131 : i32 to vector<16xi32>
        %add3A_133 = arith.addi %and3A_116, %add3A_132 : vector<16xi32>
        %and3A_134 = arith.constant 63 : i32
        %and3A_135 = vector.broadcast %and3A_134 : i32 to vector<16xi32>
        %and3A_136 = arith.andi %add3A_133, %and3A_135 : vector<16xi32>
        %add3A_137 = arith.addf %add3A_117, %unpack3A_129 : vector<16xf32>
        %add3A_138 = arith.addf %add3A_118, %unpack3A_130 : vector<16xf32>
        scf.yield %and3A_136, %add3A_137, %add3A_138 : vector<16xi32>, vector<16xf32>, vector<16xf32>
      }
      %scan3A_53 = arith.constant 64 : i32
      %add3A_54 = arith.addf %scan3A_52#1, %scan3A_52#2 : vector<16xf32>
      %mul3A_55 = arith.constant 16 : i32
      %mul3A_56 = arith.muli %scan3A_36, %mul3A_55 : i32
      %add3A_57 = arith.constant 9920 : i32
      %add3A_58 = arith.addi %add3A_57, %mul3A_56 : i32
      %swap3A = arith.index_cast %add3A_58 : i32 to index
      %swap3A_59 = tpu.vector_load %arg16[%swap3A] {strides = array<i32>} : memref<10000xf32, #tpu.memory_space<vmem>>, vector<16xf32>,
      tpu.vector_store %arg16[%swap3A], %add3A_54 {strides = array<i32>} : memref<10000xf32, #tpu.memory_space<vmem>>, vector<16xf32>,
      %scan3A_60 = arith.constant 0 : i32
      scf.yield %scan3A_60 : i32
    }
    %scan3A_35 = arith.constant 5 : i32
    "tpu.region"() ({
      %run_scoped3A = tpu.sem_alloc : memref<!tpu.dma_semaphore, #tpu.memory_space<semaphore_mem>>
      %dma_start3A_36 = tpu.memref_slice %arg7[%mul3A_2] : memref<320000xf32, #tpu.memory_space<hbm>> -> memref<10000xf32, #tpu.memory_space<hbm>>
      %dma_start3A_37 = tpu.memref_slice %arg7[%mul3A_2] : memref<320000xf32, #tpu.memory_space<hbm>> -> memref<10000xf32, #tpu.memory_space<hbm>>
      tpu.enqueue_dma source(%arg16 : memref<10000xf32, #tpu.memory_space<vmem>>) target(%dma_start3A_37 : memref<10000xf32, #tpu.memory_space<hbm>>) target_semaphore(%run_scoped3A : memref<!tpu.dma_semaphore, #tpu.memory_space<semaphore_mem>>)
      %dma_wait3A_38 = tpu.memref_slice %arg7[%mul3A_2] : memref<320000xf32, #tpu.memory_space<hbm>> -> memref<10000xf32, #tpu.memory_space<hbm>>
      %dma_wait3A_39 = tpu.memref_slice %arg7[%mul3A_2] : memref<320000xf32, #tpu.memory_space<hbm>> -> memref<10000xf32, #tpu.memory_space<hbm>>
      tpu.wait_dma2 semaphore(%run_scoped3A : memref<!tpu.dma_semaphore, #tpu.memory_space<semaphore_mem>>) src(%arg16 : memref<10000xf32, #tpu.memory_space<vmem>>) dst(%dma_wait3A_39 : memref<10000xf32, #tpu.memory_space<hbm>>)
      tpu.yield
    }) : () -> ()
    return
  }
}

</mosaic_0001>

<sc_bundles>
// kernel: _run.3.cloned.1.call-start
scs
__scs_entry_jumppad:
0x0: {  	(pc) =	sbr.rel $0x88, $3  }
0x1: {  	(tag) =	ssettag $0x0;
	lr =	simm.s32 $0x1  }
0x2: {  	[smem:$0x3F9C] =	sst lr;
	_ =	strace $0xD0000000  }
0x3: {  	_ = 	snop  }
0x4: {  	_ = 	snop  }
0x5: {  	_ = 	snop  }
0x6: {  	_ = 	snop  }
0x7: {  	_ = 	snop  }
__scs_overlays_trampoline_lowered:
0x8: {  	[smem:$0x3FAB] =	sst s0  }
0x9: {  	[smem:$0x3FAC] =	sst s1  }
0xa: {  	[smem:$0x3FAD] =	sst s2  }
0xb: {  	[smem:$0x3FAE] =	sst s3  }
0xc: {  	[smem:$0x3FAF] =	sst s4  }
0xd: {  	[smem:$0x3FB0] =	sst s5  }
0xe: {  	[smem:$0x3FB1] =	sst s6  }
0xf: {  	[smem:$0x3FB2] =	sst s7  }
0x10: {  	[smem:$0x3FB3] =	sst s8  }
0x11: {  	[smem:$0x3FB4] =	sst s9;
	s0 =	simm.s32 @!p0 $0x0  }
0x12: {  	s1 =	sld [smem:$0x3F9A];
	s0 =	simm.s32 @p0 $0x1  }
0x13: {  	[smem:$0x3FB5] =	sst s0;
	s0 =	simm.s32 @!p1 $0x0  }
0x14: {  	s2 =	sld [smem:$0x3F99];
	s0 =	simm.s32 @p1 $0x1  }
0x15: {  	[smem:$0x3FB6] =	sst s0;
	s0 =	simm.s32 @!p2 $0x0  }
0x16: {  	s3 =	sld [smem:$0x3FDB];
	s0 =	simm.s32 @p2 $0x1  }
0x17: {  	s4 =	simm.s32 $0x1BF5;
	[smem:$0x3FB8] =	sst s0  }
0x18: {  	s0 =	sld [smem:$0x3F9B];
	_ =	swait.ge [sflag:s4], $0x0  }
0x19: {  	s7 =	sld [smem:$0x3F9C]  }
0x1a: {  	s8 =	sadd.s32 $0xFFFFE003, lr  }
0x1b: {  	s9 =	sadd.s32 $0xFFFFFEF7, lr;
	s5 =	simm.s32 $0xFFFFFFFF;
	p2 =	slt.u32 s8, $0xFFFFF086  }
0x1c: {  	p1 =	slt.u32 s9, $0xF7A;
	s5 =	simm.s32 @!p2 $0x0  }
0x1d: {  	s5 =	simm.s32 @p1 $0x1;
	p0 =	seq.s32 s7, s2  }
0x1e: {  	s7 =	smul.u32 @!p0 $0xF7A, s2;
	p2 =	seq.s32 @!p0 s5, $0x0  }
0x1f: {  	s9 =	smul.u32 $0xF7A, s1;
	s8 =	simm.s32 @!p0 $0x1BF5;
	p2 =	por !p2, p0  }
0x20: {  	[sflag:s8] =	ssyncset.s32 @!p0 $0xFFFFF086;
	s6 =	sadd.s32 @!p0 s3, s7;
	s7 =	simm.s32 @!p0 $0x108  }
0x21: {  	s3 =	sadd.s32 s3, s9;
	s6 =	sadd.s32 @!p0 $0x88, s6;
	s7 =	simm.s32 @p2 $0x1082  }
0x22: {  	[simem:s7], [sflag:s8] =	dma.local @!p0 [hbm:s6], $0xF7A  }
0x23: {  	s9 =	sor.u32 $0xD0000000, s2;
	s6 =	simm.s32 $0x108;
	_ =	swait.ge @!p0 [sflag:s8], $0x0  }
0x24: {  	s3 =	sadd.s32 $0x88, s3;
	s6 =	simm.s32 @!p1 $0x1082;
	[sflag:s4] =	ssyncset.s32 $0xFFFFF086  }
0x25: {  	[simem:s6], [sflag:s4] =	dma.local [hbm:s3], $0xF7A  }
0x26: {  	[smem:$0x3F9C] =	sst s1;
	(tag) =	ssettag s2;
	_ =	strace s9  }
0x27: {  	s1 =	sld [smem:$0x3FAC]  }
0x28: {  	s2 =	sld [smem:$0x3FAD]  }
0x29: {  	s4 =	sld [smem:$0x3FAF]  }
0x2a: {  	p0 =	seq.s32 s5, $0x0;
	s5 =	sld [smem:$0x3FB0]  }
0x2b: {  	s6 =	sld [smem:$0x3FB1]  }
0x2c: {  	s7 =	sld [smem:$0x3FB2]  }
0x2d: {  	s3 =	simm.s32 $0x108;
	s8 =	sld [smem:$0x3FB3]  }
0x2e: {  	s3 =	simm.s32 @!p0 $0x1082;
	s9 =	sld [smem:$0x3FB4]  }
0x2f: {  	lr =	sadd.s32 s0, s3;
	s0 =	sld [smem:$0x3FAB]  }
0x30: {  	s3 =	sld [smem:$0x3FAE]  }
0x31: {  	[smem:$0x3FB7] =	sst s10  }
0x32: {  	s10 =	sld [smem:$0x3FB5];
	_ =	sdelay $0x3  }
0x33: {  	p0 =	seq.s32 s10, $0x1;
	s10 =	sld [smem:$0x3FB7];
	_ =	sdelay $0x3  }
0x34: {  	[smem:$0x3FB7] =	sst s10  }
0x35: {  	s10 =	sld [smem:$0x3FB6];
	_ =	sdelay $0x3  }
0x36: {  	p1 =	seq.s32 s10, $0x1;
	s10 =	sld [smem:$0x3FB7];
	_ =	sdelay $0x3  }
0x37: {  	[smem:$0x3FB7] =	sst s10  }
0x38: {  	s10 =	sld [smem:$0x3FB8]  }
0x39: {  	_ = 	snop;
	(pc) =	sbr.ind lr, $3  }
0x3a: {  	_ = 	snop  }
0x3b: {  	_ = 	snop  }
0x3c: {  	p2 =	seq.s32 s10, $0x1;
	s10 =	sld [smem:$0x3FB7]  }
0x3d: {  	_ =	shalt  }
0x3e: {  	_ =	shalt  }
0x3f: {  	_ =	shalt  }
0x40: {  	_ =	shalt  }
0x41: {  	_ =	shalt  }
0x42: {  	_ =	shalt  }
0x43: {  	_ =	shalt  }
0x44: {  	_ =	shalt  }
0x45: {  	_ =	shalt  }
0x46: {  	_ =	shalt  }
0x47: {  	_ =	shalt  }
0x48: {  	_ =	shalt  }
0x49: {  	_ =	shalt  }
0x4a: {  	_ =	shalt  }
0x4b: {  	_ =	shalt  }
0x4c: {  	_ =	shalt  }
0x4d: {  	_ =	shalt  }
0x4e: {  	_ =	shalt  }
0x4f: {  	_ =	shalt  }
0x50: {  	_ =	shalt  }
0x51: {  	_ =	shalt  }
0x52: {  	_ =	shalt  }
0x53: {  	_ =	shalt  }
0x54: {  	_ =	shalt  }
0x55: {  	_ =	shalt  }
0x56: {  	_ =	shalt  }
0x57: {  	_ =	shalt  }
0x58: {  	_ =	shalt  }
0x59: {  	_ =	shalt  }
0x5a: {  	_ =	shalt  }
0x5b: {  	_ =	shalt  }
0x5c: {  	_ =	shalt  }
0x5d: {  	_ =	shalt  }
0x5e: {  	_ =	shalt  }
0x5f: {  	_ =	shalt  }
0x60: {  	_ =	shalt  }
0x61: {  	_ =	shalt  }
0x62: {  	_ =	shalt  }
0x63: {  	_ =	shalt  }
0x64: {  	_ =	shalt  }
0x65: {  	_ =	shalt  }
0x66: {  	_ =	shalt  }
0x67: {  	_ =	shalt  }
0x68: {  	_ =	shalt  }
0x69: {  	_ =	shalt  }
0x6a: {  	_ =	shalt  }
0x6b: {  	_ =	shalt  }
0x6c: {  	_ =	shalt  }
0x6d: {  	_ =	shalt  }
0x6e: {  	_ =	shalt  }
0x6f: {  	_ =	shalt  }
0x70: {  	_ =	shalt  }
0x71: {  	_ =	shalt  }
0x72: {  	_ =	shalt  }
0x73: {  	_ =	shalt  }
0x74: {  	_ =	shalt  }
0x75: {  	_ =	shalt  }
0x76: {  	_ =	shalt  }
0x77: {  	_ =	shalt  }
0x78: {  	_ =	shalt  }
0x79: {  	_ =	shalt  }
0x7a: {  	_ =	shalt  }
0x7b: {  	_ =	shalt  }
0x7c: {  	_ =	shalt  }
0x7d: {  	_ =	shalt  }
0x7e: {  	_ =	shalt  }
0x7f: {  	_ =	shalt  }
0x80: {  	_ =	shalt  }
0x81: {  	_ =	shalt  }
0x82: {  	_ =	shalt  }
0x83: {  	_ =	shalt  }
0x84: {  	_ =	shalt  }
0x85: {  	_ =	shalt  }
0x86: {  	_ =	shalt  }
0x87: {  	_ =	shalt  }
.Lfunc_end0:
.L_simem_size_0:
called_computation_lowered:
.L_overlay_start_0:
0x88: {  	s2 =	sld [smem:$0x3FD9]  }
0x89: {  	s3 =	sld [smem:$0x3FFE];
	_ =	sdelay $0x1  }
0x8a: {  	s1 =	srdreg.scid  }
0x8b: {  	s0 =	sand.u32 $0x1, s1  }
0x8c: {  	s17 =	sshll.u32 s0, $0xA;
	s2 =	sadd.s32 s3, s2  }
0x8d: {  	s2 =	sadd.s32 s2, s17  }
0x8e: {  	[smem:$0x3FC3] =	sst s2  }
0x8f: {  	_ = 	snop  }
0x90: {  	s2 =	sld [smem:$0x3FC9]  }
0x91: {  	s18 =	sld [smem:$0x3FC8]  }
0x92: {  	s4 =	sld [smem:$0x3FC7]  }
0x93: {  	s5 =	sld [smem:$0x3FD0];
	(tm) =	ssettm $0x1  }
0x94: {  	s6 =	sld [smem:$0x3FFB];
	_ =	sdelay $0x3  }
0x95: {  	_ =	strace s6  }
0x96: {  	s6 =	sld [smem:$0x3FFC];
	_ =	sdelay $0x3  }
0x97: {  	_ =	strace s6  }
0x98: {  	s6 =	sld [smem:$0x3FFD];
	_ =	sdelay $0x3  }
0x99: {  	_ =	strace s6  }
0x9a: {  	_ =	strace $0x8FFFFFFF  }
0x9b: {  	s19 =	sld [smem:$0x3FDB];
	_ =	sdelay $0x1  }
0x9c: {  	s7 =	simm.s32 $_scs_section_size  }
0x9d: {  	s8 =	simm.s32 $_size__tile_overlayer_lowered;
	s9 =	simm.s32 $_tile_overlayer_lowered  }
0x9e: {  	s22 =	simm.s32 $0x1BFF;
	s21 =	sshll.u32 s9, $0x1;
	s6 =	sadd.s32 s7, s19  }
0x9f: {  	s10 =	simm.s32 $0x0;
	s20 =	sshll.u32 s8, $0x1;
	s8 =	sadd.s32 s21, s6  }
0xa0: {  	[timem:s10], [sflag:s22] =	dma.local [hbm:s8], s20  }
0xa1: {  	_ =	swait.ge [sflag:s22], s20  }
0xa2: {  	s7 =	ssub.s32 $0x0, s20;
	[sflag:s22] =	ssyncset.done $0x0  }
0xa3: {  	[sflag:s22] =	ssyncadd.s32 s7;
	_ =	sdelay $0x1  }
0xa4: {  	s23 =	simm.s32 $0x1B8B  }
0xa5: {  	_ =	swait.ge [sflag:s23], $0x1  }
0xa6: {  	[sflag:s23] =	ssyncset.done $0x0  }
0xa7: {  	s25 =	simm.s32 $0x1B8E;
	s24 =	sld [smem:$0x3FFE];
	[sflag:s23] =	ssyncadd.s32 $0xFFFFFFFF  }
0xa8: {  	s26 =	simm.s32 $execute0_lowered;
	[smem:$0x3FD2] =	sst s25  }
0xa9: {  	s8 =	sshll.u32 s26, $0x1;
	_ =	strace $0x80000046;
	[dreg:$0x1] =	wrdreg $0xFFFFFFFF  }
0xaa: {  	s28 =	simm.s32 $_size_execute0_lowered;
	s6 =	sadd.s32 s6, s8;
	[dreg:$0x0] =	wrdreg $0x0  }
0xab: {  	s8 =	sshll.u32 s28, $0x1;
	[dreg:$0x2] =	wrdreg s6  }
0xac: {  	[dreg:$0x3] =	wrdreg s8  }
0xad: {  	[dreg:$0x4] =	wrdreg $0xC0  }
0xae: {  	_ =	task [dreg:s10], $0x5FFFF  }
0xaf: {  	[dreg:$0x1] =	wrdreg $0xFFFFFFFF  }
0xb0: {  	[dreg:$0x0] =	wrdreg $0x60  }
0xb1: {  	[dreg:$0x2] =	wrdreg s2  }
0xb2: {  	[dreg:$0x3] =	wrdreg s18  }
0xb3: {  	[dreg:$0x4] =	wrdreg s4  }
0xb4: {  	[dreg:$0x5] =	wrdreg s24  }
0xb5: {  	[dreg:$0x6] =	wrdreg s5  }
0xb6: {  	[dreg:$0x7] =	wrdreg $0x9  }
0xb7: {  	_ =	task.clear_ibuf [dreg:s10], $0x8FFFF;
	_ =	strace $0x90000046  }
0xb8: {  	s29 =	simm.s32 $0x9;
	_ =	strace $0x80000048  }
0xb9: {  	_ =	swait.ge [sflag:s29], $0x1  }
0xba: {  	[sflag:s29] =	ssyncadd.s32 $0xFFFFFFFF  }
0xbb: {  	_ =	strace $0x90000048  }
0xbc: {  	_ =	sfence  }
0xbd: {  	s30 =	sld [smem:$0x0];
	_ =	sdelay $0x2  }
0xbe: {  	s31 =	sshll.u32 s1, $0xD;
	s1 =	sshrl.u32 s1, $0x2  }
0xbf: {  	s3 =	sand.u32 $0x4000, s31;
	s1 =	sadd.s32 s1, s30  }
0xc0: {  	s0 =	sor.u32 s3, s0;
	s1 =	sshll.u32 s1, $0x11  }
0xc1: {  	s0 =	sor.u32 s1, s0  }
0xc2: {  	s0 =	sadd.s32 $0x8F2B, s0  }
0xc3: {  	[sflag:s0] =	ssyncadd.remote.s32 $0x1  }
0xc4: {  	_ =	sfence.sel $0xFFFF  }
0xc5: {  	[dreg:$0x0] =	wrdreg $0xFFFFFFFF;
	(pc) =	sbr.abs _section_cstart, $3  }
0xc6: {  	[dreg:$0x1] =	wrdreg $0xFFFFFFFF  }
0xc7: {  	_ =	task.clear_ibuf [dreg:s10], $0x2FFFF;
	_ =	strace $0x9FFFFFFF  }
0xc8: {  	(tm) =	ssettm $0x7FFFFFFF  }
0xc9: {  	_ =	shalt  }
tec
execute0_lowered:
.L_overlay_start_1:
0x0: {  	(tag) =	ssettag $0x1  }
0x1: {  	s5 =	rddreg [dreg:$0x0]  }
0x2: {  	s6 =	rddreg [dreg:$0x1]  }
0x3: {  	s7 =	rddreg [dreg:$0x2]  }
0x4: {  	s4 =	rddreg [dreg:$0x3]  }
0x5: {  	s8 =	rddreg [dreg:$0x4]  }
0x6: {  	s0 =	rddreg [dreg:$0x5]  }
0x7: {  	s3 =	srdreg.scid;
	s1 =	stileid.u32  }
0x8: {  	s2 =	simm.s32 $0x0;
	s12 =	simm.s32 $0x4E20;
	s13 =	simm.s32 $0x7530  }
0x9: {  	s14 =	simm.s32 $0x50;
	s15 =	simm.s32 $0xF230;
	s16 =	simm.s32 $0x10630  }
0xa: {  	s17 =	simm.s32 $0x1;
	s18 =	simm.s32 $0x11A30;
	s19 =	simm.s32 $0x12E30  }
0xb: {  	s20 =	simm.s32 $0x2;
	s21 =	simm.s32 $0x14230;
	s22 =	simm.s32 $0x0  }
0xc: {  	s3 =	sand.u32 $0x1, s3;
	s9 =	sshll.u32 s1, $0x1;
	[smem:$0x7FF] =	sst s2  }
0xd: {  	s10 =	ssub.s32 $0x2, s3;
	s3 =	sor.u32 s3, s9;
	_ =	strace $0x80000047  }
0xe: {  	s31 =	sshrl.u32 s10, $0x1;
	s11 =	smul.u32 $0x4E2, s3;
	s3 =	sadd.s32 $0x600, s4  }
0xf: {  	s4 =	sadd.s32 $0x14000, s4;
	s9 =	ssub.s32 s10, s31;
	s10 =	simm.s32 $0x3  }
0x10: {  	s5 =	sadd.s32 s5, s11;
	s6 =	sadd.s32 s6, s11;
	s7 =	sadd.s32 s7, s11  }
0x11: {  	s8 =	sadd.s32 s8, s11;
	s9 =	smax.u32 s9, $0x1;
	s11 =	simm.s32 $0x2710  }
.LBB2_1:
0x12: {  	[tilespmem:s2], [sflag:$0x3] =	stream.linear.gather [hbm4b:s5+s2], $0x2710, $0x38;
	[tilespmem:$0x16940] =	vst v63  }
0x13: {  	_ =	swait.ge [sflag:s10], $0x2710  }
0x14: {  	[sflag:s10] =	ssyncset.done $0x0  }
0x15: {  	[sflag:s10] =	ssyncadd.s32 $0xFFFFD8F0  }
0x16: {  	[tilespmem:s11], [sflag:$0x3] =	stream.linear.gather [hbm4b:s6+s2], $0x2710, $0x38;
	[tilespmem:$0x16940] =	vst v63  }
0x17: {  	_ =	swait.ge [sflag:s10], $0x2710  }
0x18: {  	[sflag:s10] =	ssyncset.done $0x0  }
0x19: {  	[sflag:s10] =	ssyncadd.s32 $0xFFFFD8F0  }
0x1a: {  	[tilespmem:s12], [sflag:$0x3] =	stream.linear.gather [hbm4b:s7+s2], $0x2710, $0x38;
	[tilespmem:$0x16940] =	vst v63  }
0x1b: {  	_ =	swait.ge [sflag:s10], $0x2710  }
0x1c: {  	[sflag:s10] =	ssyncset.done $0x0  }
0x1d: {  	[sflag:s10] =	ssyncadd.s32 $0xFFFFD8F0  }
0x1e: {  	[tilespmem:s13], [sflag:$0x3] =	stream.linear.gather [hbm4b:s4+s2], $0x7D00, $0x38;
	[tilespmem:$0x16940] =	vst v63  }
0x1f: {  	_ =	swait.ge [sflag:s10], $0x7D00  }
0x20: {  	[sflag:s10] =	ssyncset.done $0x0  }
0x21: {  	[sflag:s10] =	ssyncadd.s32 $0xFFFF8300  }
0x22: {  	[tilespmem:s15], [sflag:$0x1] =	stream.indirect.gather [hbm4b:s3+s14], $0x40, s2, s14, $0xb8;
	[tilespmem:$0x16940] =	vst v63  }
0x23: {  	s23 =	simm.s32 $0x0  }
0x24: {  	[tilespmem:s16], [sflag:$0x1] =	stream.indirect.gather [hbm4b:s3+s14], $0x40, s11, s14, $0xb8;
	[tilespmem:$0x16940] =	vst v63  }
.LBB2_2:
0x25: {  	_ =	swait.ge [sflag:s17], $0x1400  }
0x26: {  	[sflag:s17] =	ssyncset.done $0x0  }
0x27: {  	[sflag:s17] =	ssyncadd.s32 $0xFFFFEC00  }
0x28: {  	s25 =	smul.u32 $0xA0, s23;
	_ =	swait.ge [sflag:s17], $0x1400  }
0x29: {  	[sflag:s17] =	ssyncset.done $0x0  }
0x2a: {  	s24 =	sadd.s32 $0x50, s25;
	[sflag:s17] =	ssyncadd.s32 $0xFFFFEC00  }
0x2b: {  	[tilespmem:s18], [sflag:$0x2] =	stream.indirect.gather [hbm4b:s3+s14], $0x40, s24, s14, $0xb8;
	[tilespmem:$0x16940] =	vst v63  }
0x2c: {  	s26 =	sadd.s32 $0x2760, s25  }
0x2d: {  	[tilespmem:s19], [sflag:$0x2] =	stream.indirect.gather [hbm4b:s3+s14], $0x40, s26, s14, $0xb8;
	[tilespmem:$0x16940] =	vst v63  }
0x2e: {  	v0 =	vmov s25;
	s26 =	simm.s32 $0x0  }
.LBB2_3:
0x2f: {  	s28 =	sshll.u32 s26, $0x4;
	v3 =	vlaneseq.u32  }
0x30: {  	v2 =	vmov s28;
	v4 =	vmul.u32 $0x40, v3  }
0x31: {  	v2 =	vshll.u32 v2, $0x6  }
0x32: {  	v2 =	vor.u32 v4, v2  }
0x33: {  	v6 =	vadd.s32 $0x1, v3;
	v5 =	vor.u32 v2, v3  }
0x34: {  	v1 =	vld.idx.msk [tilespmem:v0+s28+$0x4E20 ss:$0x1], $0xffff;
	v6 =	vand.u32 $0x3F, v6  }
0x35: {  	v7 =	vadd.s32 $0x2, v3;
	v8 =	vor.u32 v2, v6  }
0x36: {  	v7 =	vand.u32 $0x3F, v7  }
0x37: {  	v11 =	vadd.s32 $0x3, v3;
	v9 =	vor.u32 v2, v7  }
0x38: {  	v11 =	vand.u32 $0x3F, v11;
	v10 =	vld.idx.msk [tilespmem:v5+s16+$0x0], $0xffff  }
0x39: {  	v13 =	vor.u32 v2, v11;
	v1 =	vshll.u32 v1, $0x6;
	v5 =	vld.idx.msk [tilespmem:v5+s15+$0x0], $0xffff  }
0x3a: {  	v4 =	vor.u32 v1, v3;
	v12 =	vld.idx.msk [tilespmem:v8+s15+$0x0], $0xffff  }
0x3b: {  	v8 =	vld.idx.msk [tilespmem:v8+s16+$0x0], $0xffff  }
0x3c: {  	v6 =	vor.u32 v1, v6;
	v14 =	vld.idx.msk [tilespmem:v9+s15+$0x0], $0xffff  }
0x3d: {  	v15 =	vld.idx.msk [tilespmem:v9+s16+$0x0], $0xffff  }
0x3e: {  	v7 =	vor.u32 v1, v7;
	v18 =	vld.idx.msk [tilespmem:v13+s16+$0x0], $0xffff  }
0x3f: {  	v3 =	vadd.s32 $0x4, v3;
	v4 =	vld.idx.msk [tilespmem:v4+s13+$0x0], $0xffff  }
0x40: {  	v3 =	vand.u32 $0x3F, v3;
	v13 =	vld.idx.msk [tilespmem:v13+s15+$0x0], $0xffff  }
0x41: {  	v17 =	vadd.s32 $0x3, v3;
	v16 =	vld.idx.msk [tilespmem:v6+s13+$0x0], $0xffff;
	v6 =	vor.u32 v1, v11  }
0x42: {  	v19 =	vor.u32 v2, v3;
	v5 =	vmul.bf16 v10, v5;
	v10 =	vor.u32 v1, v3  }
0x43: {  	v9 =	vadd.s32 $0x1, v3;
	v11 =	vimm.f32 $0.0e+00;
	v7 =	vld.idx.msk [tilespmem:v7+s13+$0x0], $0xffff;
	v8 =	vmul.bf16 v8, v12  }
0x44: {  	v14 =	vmul.bf16 v15, v14;
	v20 =	vmul.bf16 v4, v5;
	v4 =	vand.u32 $0x3F, v9  }
0x45: {  	v13 =	vmul.bf16 v18, v13;
	v5 =	vadd.s32 $0x2, v3;
	v9 =	vor.u32 v2, v4  }
0x46: {  	v16 =	vmul.bf16 v16, v8;
	v12 =	vand.u32 $0x3F, v5;
	v5 =	vld.idx.msk [tilespmem:v6+s13+$0x0], $0xffff;
	v6 =	vor.u32 v1, v4  }
0x47: {  	v21 =	vunpack.i.l.bf16.f32 v20;
	v4 =	vld.idx.msk [tilespmem:v10+s13+$0x0], $0xffff;
	v10 =	vor.u32 v2, v12;
	v20 =	vunpack.i.u.bf16.f32 v20  }
0x48: {  	v8 =	vld.idx.msk [tilespmem:v19+s16+$0x0], $0xffff;
	v15 =	vmul.bf16 v7, v14;
	v21 =	vadd.f32 v21, v11;
	v20 =	vadd.f32 v20, v11  }
0x49: {  	v14 =	vand.u32 $0x3F, v17;
	v22 =	vunpack.i.u.bf16.f32 v16;
	v16 =	vunpack.i.l.bf16.f32 v16;
	v11 =	vld.idx.msk [tilespmem:v19+s15+$0x0], $0xffff  }
0x4a: {  	s29 =	simm.s32 $0x4;
	s28 =	sadd.s32 s25, s28;
	v12 =	vor.u32 v1, v12;
	v16 =	vadd.f32 v16, v21;
	v17 =	vadd.f32 v22, v20;
	v7 =	vld.idx.msk [tilespmem:v9+s15+$0x0], $0xffff  }
.LBB2_4:
0x4b: {  	s29 =	sadd.s32 $0x4, s29;
	v9 =	vld.idx.msk [tilespmem:v9+s16+$0x0], $0xffff;
	v18 =	vor.u32 v2, v14;
	v19 =	vunpack.i.u.bf16.f32 v15;
	v15 =	vunpack.i.l.bf16.f32 v15  }
0x4c: {  	v5 =	vmul.bf16 v5, v13;
	p0 =	slt.u32 s29, $0x3C;
	v20 =	vld.idx.msk [tilespmem:v10+s15+$0x0], $0xffff;
	v15 =	vadd.f32 v15, v16;
	v16 =	vadd.f32 v19, v17  }
0x4d: {  	v3 =	vadd.s32 $0x4, v3;
	v13 =	vld.idx.msk [tilespmem:v10+s16+$0x0], $0xffff  }
0x4e: {  	v3 =	vand.u32 $0x3F, v3;
	v10 =	vld.idx.msk [tilespmem:v6+s13+$0x0], $0xffff;
	v6 =	vor.u32 v1, v14;
	v14 =	vunpack.i.u.bf16.f32 v5  }
0x4f: {  	v8 =	vmul.bf16 v8, v11;
	v5 =	vunpack.i.l.bf16.f32 v5;
	v17 =	vld.idx.msk [tilespmem:v12+s13+$0x0], $0xffff;
	v11 =	vadd.f32 v14, v16  }
0x50: {  	v12 =	vor.u32 v1, v3;
	v14 =	vadd.s32 $0x3, v3;
	v15 =	vadd.f32 v5, v15;
	v16 =	vld.idx.msk [tilespmem:v18+s16+$0x0], $0xffff  }
0x51: {  	v19 =	vor.u32 v2, v3;
	v5 =	vadd.s32 $0x1, v3;
	v8 =	vmul.bf16 v4, v8;
	v18 =	vld.idx.msk [tilespmem:v18+s15+$0x0], $0xffff  }
0x52: {  	v4 =	vand.u32 $0x3F, v5;
	v5 =	vadd.s32 $0x2, v3;
	v7 =	vmul.bf16 v9, v7  }
0x53: {  	v9 =	vor.u32 v2, v4;
	v21 =	vand.u32 $0x3F, v5;
	v22 =	vunpack.i.l.bf16.f32 v8;
	v5 =	vld.idx.msk [tilespmem:v6+s13+$0x0], $0xffff  }
.Ltmp0:
0x54: {  	v6 =	vor.u32 v1, v4;
	v22 =	vadd.f32 v22, v15;
	v7 =	vmul.bf16 v10, v7;
	(pc) =	sbr.rel @p0 .LBB2_4-.Ltmp0, $4  }
0x55: {  	v13 =	vmul.bf16 v13, v20;
	v10 =	vor.u32 v2, v21;
	v4 =	vld.idx.msk [tilespmem:v12+s13+$0x0], $0xffff;
	v12 =	vunpack.i.u.bf16.f32 v8  }
0x56: {  	v23 =	vunpack.i.u.bf16.f32 v7;
	v24 =	vunpack.i.l.bf16.f32 v7;
	v8 =	vld.idx.msk [tilespmem:v19+s16+$0x0], $0xffff;
	v20 =	vadd.f32 v12, v11  }
0x57: {  	v15 =	vmul.bf16 v17, v13;
	v12 =	vor.u32 v1, v21;
	v13 =	vmul.bf16 v16, v18;
	v11 =	vld.idx.msk [tilespmem:v19+s15+$0x0], $0xffff  }
0x58: {  	v14 =	vand.u32 $0x3F, v14;
	v16 =	vadd.f32 v24, v22;
	v7 =	vld.idx.msk [tilespmem:v9+s15+$0x0], $0xffff;
	v17 =	vadd.f32 v23, v20  }
0x59: {  	_ =	sdelay $0x3  }
0x5a: {  	v3 =	vld.idx.msk [tilespmem:v9+s16+$0x0], $0xffff;
	v2 =	vor.u32 v2, v14  }
0x5b: {  	v50 =	vld.idx.msk [tilespmem:v10+s15+$0x0], $0xffff  }
0x5c: {  	v51 =	vld.idx.msk [tilespmem:v10+s16+$0x0], $0xffff  }
0x5d: {  	v6 =	vld.idx.msk [tilespmem:v6+s13+$0x0], $0xffff;
	v1 =	vor.u32 v1, v14  }
0x5e: {  	v12 =	vld.idx.msk [tilespmem:v12+s13+$0x0], $0xffff;
	v5 =	vmul.bf16 v5, v13  }
0x5f: {  	v52 =	vunpack.i.u.bf16.f32 v15;
	v53 =	vunpack.i.l.bf16.f32 v15;
	v8 =	vmul.bf16 v8, v11;
	v54 =	vld.idx.msk [tilespmem:v2+s16+$0x0], $0xffff  }
0x60: {  	v55 =	vadd.f32 v53, v16;
	v14 =	vadd.f32 v52, v17;
	v56 =	vunpack.i.u.bf16.f32 v5;
	v2 =	vld.idx.msk [tilespmem:v2+s15+$0x0], $0xffff  }
0x61: {  	v5 =	vunpack.i.l.bf16.f32 v5;
	v3 =	vmul.bf16 v3, v7;
	v4 =	vmul.bf16 v4, v8  }
0x62: {  	v5 =	vadd.f32 v5, v55;
	v7 =	vadd.f32 v56, v14;
	v1 =	vld.idx.msk [tilespmem:v1+s13+$0x0], $0xffff;
	v58 =	vmul.bf16 v51, v50  }
0x63: {  	v3 =	vmul.bf16 v6, v3;
	v57 =	vunpack.i.l.bf16.f32 v4;
	v4 =	vunpack.i.u.bf16.f32 v4  }
0x64: {  	v60 =	vmul.bf16 v12, v58;
	v5 =	vadd.f32 v57, v5;
	v4 =	vadd.f32 v4, v7  }
0x65: {  	v59 =	vunpack.i.u.bf16.f32 v3;
	v3 =	vunpack.i.l.bf16.f32 v3;
	v2 =	vmul.bf16 v54, v2  }
0x66: {  	v3 =	vadd.f32 v3, v5;
	v4 =	vadd.f32 v59, v4  }
0x67: {  	v61 =	vunpack.i.u.bf16.f32 v60;
	v62 =	vunpack.i.l.bf16.f32 v60;
	v1 =	vmul.bf16 v1, v2  }
0x68: {  	s26 =	sadd.s32 $0x1, s26;
	v2 =	vadd.f32 v62, v3;
	v3 =	vadd.f32 v61, v4  }
0x69: {  	p0 =	sne.s32 s26, $0x5;
	v63 =	vunpack.i.u.bf16.f32 v1;
	v1 =	vunpack.i.l.bf16.f32 v1  }
.Ltmp1:
0x6a: {  	v3 =	vadd.f32 v63, v3;
	v1 =	vadd.f32 v1, v2;
	(pc) =	sbr.rel @p0 .LBB2_3-.Ltmp1, $3  }
0x6b: {  	_ = 	snop  }
0x6c: {  	v1 =	vadd.f32 v3, v1;
	_ =	sdelay $0x1  }
0x6d: {  	[tilespmem:s28+$0x14230] =	vst v1  }
0x6e: {  	_ =	swait.ge [sflag:s20], $0x1400  }
0x6f: {  	[sflag:s20] =	ssyncset.done $0x0  }
0x70: {  	[sflag:s20] =	ssyncadd.s32 $0xFFFFEC00  }
0x71: {  	_ =	swait.ge [sflag:s20], $0x1400  }
0x72: {  	[sflag:s20] =	ssyncset.done $0x0  }
0x73: {  	s26 =	sadd.s32 $0xA0, s25;
	[sflag:s20] =	ssyncadd.s32 $0xFFFFEC00  }
0x74: {  	[tilespmem:s15], [sflag:$0x1] =	stream.indirect.gather [hbm4b:s3+s14], $0x40, s26, s14, $0xb8;
	[tilespmem:$0x16940] =	vst v63  }
0x75: {  	s31 =	sadd.s32 $0x27B0, s25;
	s25 =	simm.s32 $0x0  }
0x76: {  	v0 =	vmov s24;
	[tilespmem:s16], [sflag:$0x1] =	stream.indirect.gather [hbm4b:s3+s14], $0x40, s31, s14, $0xb8;
	[tilespmem:$0x16940] =	vst v63  }
.LBB2_7:
0x77: {  	s26 =	sshll.u32 s25, $0x4;
	v3 =	vlaneseq.u32  }
0x78: {  	v2 =	vmov s26;
	v4 =	vmul.u32 $0x40, v3  }
0x79: {  	v2 =	vshll.u32 v2, $0x6  }
0x7a: {  	v2 =	vor.u32 v4, v2  }
0x7b: {  	v6 =	vadd.s32 $0x1, v3;
	v5 =	vor.u32 v2, v3  }
0x7c: {  	v1 =	vld.idx.msk [tilespmem:v0+s26+$0x4E20 ss:$0x1], $0xffff;
	v6 =	vand.u32 $0x3F, v6  }
0x7d: {  	v7 =	vadd.s32 $0x2, v3;
	v8 =	vor.u32 v2, v6  }
0x7e: {  	v7 =	vand.u32 $0x3F, v7  }
0x7f: {  	v11 =	vadd.s32 $0x3, v3;
	v9 =	vor.u32 v2, v7  }
0x80: {  	v11 =	vand.u32 $0x3F, v11;
	v10 =	vld.idx.msk [tilespmem:v5+s19+$0x0], $0xffff  }
0x81: {  	v13 =	vor.u32 v2, v11;
	v1 =	vshll.u32 v1, $0x6;
	v5 =	vld.idx.msk [tilespmem:v5+s18+$0x0], $0xffff  }
0x82: {  	v4 =	vor.u32 v1, v3;
	v12 =	vld.idx.msk [tilespmem:v8+s18+$0x0], $0xffff  }
0x83: {  	v8 =	vld.idx.msk [tilespmem:v8+s19+$0x0], $0xffff  }
0x84: {  	v6 =	vor.u32 v1, v6;
	v14 =	vld.idx.msk [tilespmem:v9+s18+$0x0], $0xffff  }
0x85: {  	v15 =	vld.idx.msk [tilespmem:v9+s19+$0x0], $0xffff  }
0x86: {  	v7 =	vor.u32 v1, v7;
	v18 =	vld.idx.msk [tilespmem:v13+s19+$0x0], $0xffff  }
0x87: {  	v3 =	vadd.s32 $0x4, v3;
	v4 =	vld.idx.msk [tilespmem:v4+s13+$0x0], $0xffff  }
0x88: {  	v3 =	vand.u32 $0x3F, v3;
	v13 =	vld.idx.msk [tilespmem:v13+s18+$0x0], $0xffff  }
0x89: {  	v17 =	vadd.s32 $0x3, v3;
	v16 =	vld.idx.msk [tilespmem:v6+s13+$0x0], $0xffff;
	v6 =	vor.u32 v1, v11  }
0x8a: {  	v19 =	vor.u32 v2, v3;
	v5 =	vmul.bf16 v10, v5;
	v10 =	vor.u32 v1, v3  }
0x8b: {  	v9 =	vadd.s32 $0x1, v3;
	v11 =	vimm.f32 $0.0e+00;
	v7 =	vld.idx.msk [tilespmem:v7+s13+$0x0], $0xffff;
	v8 =	vmul.bf16 v8, v12  }
0x8c: {  	v14 =	vmul.bf16 v15, v14;
	v20 =	vmul.bf16 v4, v5;
	v4 =	vand.u32 $0x3F, v9  }
0x8d: {  	v13 =	vmul.bf16 v18, v13;
	v5 =	vadd.s32 $0x2, v3;
	v9 =	vor.u32 v2, v4  }
0x8e: {  	v16 =	vmul.bf16 v16, v8;
	v12 =	vand.u32 $0x3F, v5;
	v5 =	vld.idx.msk [tilespmem:v6+s13+$0x0], $0xffff;
	v6 =	vor.u32 v1, v4  }
0x8f: {  	v21 =	vunpack.i.l.bf16.f32 v20;
	v4 =	vld.idx.msk [tilespmem:v10+s13+$0x0], $0xffff;
	v10 =	vor.u32 v2, v12;
	v20 =	vunpack.i.u.bf16.f32 v20  }
0x90: {  	v8 =	vld.idx.msk [tilespmem:v19+s19+$0x0], $0xffff;
	v15 =	vmul.bf16 v7, v14;
	v21 =	vadd.f32 v21, v11;
	v20 =	vadd.f32 v20, v11  }
0x91: {  	v14 =	vand.u32 $0x3F, v17;
	v22 =	vunpack.i.u.bf16.f32 v16;
	v16 =	vunpack.i.l.bf16.f32 v16;
	v11 =	vld.idx.msk [tilespmem:v19+s18+$0x0], $0xffff  }
0x92: {  	s28 =	simm.s32 $0x4;
	s26 =	sadd.s32 s24, s26;
	v12 =	vor.u32 v1, v12;
	v16 =	vadd.f32 v16, v21;
	v17 =	vadd.f32 v22, v20;
	v7 =	vld.idx.msk [tilespmem:v9+s18+$0x0], $0xffff  }
.LBB2_8:
0x93: {  	s28 =	sadd.s32 $0x4, s28;
	v9 =	vld.idx.msk [tilespmem:v9+s19+$0x0], $0xffff;
	v18 =	vor.u32 v2, v14;
	v19 =	vunpack.i.u.bf16.f32 v15;
	v15 =	vunpack.i.l.bf16.f32 v15  }
0x94: {  	v5 =	vmul.bf16 v5, v13;
	p0 =	slt.u32 s28, $0x3C;
	v20 =	vld.idx.msk [tilespmem:v10+s18+$0x0], $0xffff;
	v15 =	vadd.f32 v15, v16;
	v16 =	vadd.f32 v19, v17  }
0x95: {  	v3 =	vadd.s32 $0x4, v3;
	v13 =	vld.idx.msk [tilespmem:v10+s19+$0x0], $0xffff  }
0x96: {  	v3 =	vand.u32 $0x3F, v3;
	v10 =	vld.idx.msk [tilespmem:v6+s13+$0x0], $0xffff;
	v6 =	vor.u32 v1, v14;
	v14 =	vunpack.i.u.bf16.f32 v5  }
0x97: {  	v8 =	vmul.bf16 v8, v11;
	v5 =	vunpack.i.l.bf16.f32 v5;
	v17 =	vld.idx.msk [tilespmem:v12+s13+$0x0], $0xffff;
	v11 =	vadd.f32 v14, v16  }
0x98: {  	v12 =	vor.u32 v1, v3;
	v14 =	vadd.s32 $0x3, v3;
	v15 =	vadd.f32 v5, v15;
	v16 =	vld.idx.msk [tilespmem:v18+s19+$0x0], $0xffff  }
0x99: {  	v19 =	vor.u32 v2, v3;
	v5 =	vadd.s32 $0x1, v3;
	v8 =	vmul.bf16 v4, v8;
	v18 =	vld.idx.msk [tilespmem:v18+s18+$0x0], $0xffff  }
0x9a: {  	v4 =	vand.u32 $0x3F, v5;
	v5 =	vadd.s32 $0x2, v3;
	v7 =	vmul.bf16 v9, v7  }
0x9b: {  	v9 =	vor.u32 v2, v4;
	v21 =	vand.u32 $0x3F, v5;
	v22 =	vunpack.i.l.bf16.f32 v8;
	v5 =	vld.idx.msk [tilespmem:v6+s13+$0x0], $0xffff  }
.Ltmp2:
0x9c: {  	v6 =	vor.u32 v1, v4;
	v22 =	vadd.f32 v22, v15;
	v7 =	vmul.bf16 v10, v7;
	(pc) =	sbr.rel @p0 .LBB2_8-.Ltmp2, $4  }
0x9d: {  	v13 =	vmul.bf16 v13, v20;
	v10 =	vor.u32 v2, v21;
	v4 =	vld.idx.msk [tilespmem:v12+s13+$0x0], $0xffff;
	v12 =	vunpack.i.u.bf16.f32 v8  }
0x9e: {  	v23 =	vunpack.i.u.bf16.f32 v7;
	v24 =	vunpack.i.l.bf16.f32 v7;
	v8 =	vld.idx.msk [tilespmem:v19+s19+$0x0], $0xffff;
	v20 =	vadd.f32 v12, v11  }
0x9f: {  	v15 =	vmul.bf16 v17, v13;
	v12 =	vor.u32 v1, v21;
	v13 =	vmul.bf16 v16, v18;
	v11 =	vld.idx.msk [tilespmem:v19+s18+$0x0], $0xffff  }
0xa0: {  	v14 =	vand.u32 $0x3F, v14;
	v16 =	vadd.f32 v24, v22;
	v7 =	vld.idx.msk [tilespmem:v9+s18+$0x0], $0xffff;
	v17 =	vadd.f32 v23, v20  }
0xa1: {  	_ =	sdelay $0x3  }
0xa2: {  	v3 =	vld.idx.msk [tilespmem:v9+s19+$0x0], $0xffff;
	v2 =	vor.u32 v2, v14  }
0xa3: {  	v50 =	vld.idx.msk [tilespmem:v10+s18+$0x0], $0xffff  }
0xa4: {  	v51 =	vld.idx.msk [tilespmem:v10+s19+$0x0], $0xffff  }
0xa5: {  	v6 =	vld.idx.msk [tilespmem:v6+s13+$0x0], $0xffff;
	v1 =	vor.u32 v1, v14  }
0xa6: {  	v12 =	vld.idx.msk [tilespmem:v12+s13+$0x0], $0xffff;
	v5 =	vmul.bf16 v5, v13  }
0xa7: {  	v52 =	vunpack.i.u.bf16.f32 v15;
	v53 =	vunpack.i.l.bf16.f32 v15;
	v8 =	vmul.bf16 v8, v11;
	v54 =	vld.idx.msk [tilespmem:v2+s19+$0x0], $0xffff  }
0xa8: {  	v55 =	vadd.f32 v53, v16;
	v14 =	vadd.f32 v52, v17;
	v56 =	vunpack.i.u.bf16.f32 v5;
	v2 =	vld.idx.msk [tilespmem:v2+s18+$0x0], $0xffff  }
0xa9: {  	v5 =	vunpack.i.l.bf16.f32 v5;
	v3 =	vmul.bf16 v3, v7;
	v4 =	vmul.bf16 v4, v8  }
0xaa: {  	v5 =	vadd.f32 v5, v55;
	v7 =	vadd.f32 v56, v14;
	v1 =	vld.idx.msk [tilespmem:v1+s13+$0x0], $0xffff;
	v58 =	vmul.bf16 v51, v50  }
0xab: {  	v3 =	vmul.bf16 v6, v3;
	v57 =	vunpack.i.l.bf16.f32 v4;
	v4 =	vunpack.i.u.bf16.f32 v4  }
0xac: {  	v60 =	vmul.bf16 v12, v58;
	v5 =	vadd.f32 v57, v5;
	v4 =	vadd.f32 v4, v7  }
0xad: {  	v59 =	vunpack.i.u.bf16.f32 v3;
	v3 =	vunpack.i.l.bf16.f32 v3;
	v2 =	vmul.bf16 v54, v2  }
0xae: {  	v3 =	vadd.f32 v3, v5;
	v4 =	vadd.f32 v59, v4  }
0xaf: {  	v61 =	vunpack.i.u.bf16.f32 v60;
	v62 =	vunpack.i.l.bf16.f32 v60;
	v1 =	vmul.bf16 v1, v2  }
0xb0: {  	s25 =	sadd.s32 $0x1, s25;
	v2 =	vadd.f32 v62, v3;
	v3 =	vadd.f32 v61, v4  }
0xb1: {  	p0 =	sne.s32 s25, $0x5;
	v63 =	vunpack.i.u.bf16.f32 v1;
	v1 =	vunpack.i.l.bf16.f32 v1  }
.Ltmp3:
0xb2: {  	v3 =	vadd.f32 v63, v3;
	v1 =	vadd.f32 v1, v2;
	(pc) =	sbr.rel @p0 .LBB2_7-.Ltmp3, $3  }
0xb3: {  	_ = 	snop  }
0xb4: {  	v1 =	vadd.f32 v3, v1;
	_ =	sdelay $0x1  }
0xb5: {  	[tilespmem:s26+$0x14230] =	vst v1  }
0xb6: {  	s23 =	sadd.s32 $0x1, s23  }
0xb7: {  	p0 =	sne.s32 s23, $0x3E  }
.Ltmp4:
0xb8: {  	_ = 	snop;
	(pc) =	sbr.rel @p0 .LBB2_2-.Ltmp4, $1  }
0xb9: {  	_ =	sdelay $0x3  }
0xba: {  	_ =	swait.ge [sflag:s17], $0x1400  }
0xbb: {  	[sflag:s17] =	ssyncset.done $0x0  }
0xbc: {  	[sflag:s17] =	ssyncadd.s32 $0xFFFFEC00  }
0xbd: {  	_ =	swait.ge [sflag:s17], $0x1400  }
0xbe: {  	[sflag:s17] =	ssyncset.done $0x0  }
0xbf: {  	s23 =	simm.s32 $0x0;
	[sflag:s17] =	ssyncadd.s32 $0xFFFFEC00  }
.LBB2_12:
0xc0: {  	s24 =	sshll.u32 s23, $0x4;
	v2 =	vlaneseq.u32  }
0xc1: {  	v1 =	vmov s24;
	v3 =	vmul.u32 $0x40, v2  }
0xc2: {  	v1 =	vshll.u32 v1, $0x6  }
0xc3: {  	v1 =	vor.u32 v3, v1  }
0xc4: {  	v5 =	vadd.s32 $0x1, v2;
	v4 =	vor.u32 v1, v2  }
0xc5: {  	v0 =	vld [tilespmem:s24+$0x74E0];
	v5 =	vand.u32 $0x3F, v5  }
0xc6: {  	v6 =	vadd.s32 $0x2, v2;
	v7 =	vor.u32 v1, v5  }
0xc7: {  	v6 =	vand.u32 $0x3F, v6  }
0xc8: {  	v10 =	vadd.s32 $0x3, v2;
	v8 =	vor.u32 v1, v6  }
0xc9: {  	v10 =	vand.u32 $0x3F, v10;
	v9 =	vld.idx.msk [tilespmem:v4+s16+$0x0], $0xffff  }
0xca: {  	v12 =	vor.u32 v1, v10;
	v0 =	vshll.u32 v0, $0x6;
	v4 =	vld.idx.msk [tilespmem:v4+s15+$0x0], $0xffff  }
0xcb: {  	v3 =	vor.u32 v0, v2;
	v11 =	vld.idx.msk [tilespmem:v7+s15+$0x0], $0xffff  }
0xcc: {  	v7 =	vld.idx.msk [tilespmem:v7+s16+$0x0], $0xffff  }
0xcd: {  	v5 =	vor.u32 v0, v5;
	v13 =	vld.idx.msk [tilespmem:v8+s15+$0x0], $0xffff  }
0xce: {  	v14 =	vld.idx.msk [tilespmem:v8+s16+$0x0], $0xffff  }
0xcf: {  	v6 =	vor.u32 v0, v6;
	v17 =	vld.idx.msk [tilespmem:v12+s16+$0x0], $0xffff  }
0xd0: {  	v2 =	vadd.s32 $0x4, v2;
	v3 =	vld.idx.msk [tilespmem:v3+s13+$0x0], $0xffff  }
0xd1: {  	v2 =	vand.u32 $0x3F, v2;
	v12 =	vld.idx.msk [tilespmem:v12+s15+$0x0], $0xffff  }
0xd2: {  	v16 =	vadd.s32 $0x3, v2;
	v15 =	vld.idx.msk [tilespmem:v5+s13+$0x0], $0xffff;
	v5 =	vor.u32 v0, v10  }
0xd3: {  	v18 =	vor.u32 v1, v2;
	v4 =	vmul.bf16 v9, v4;
	v9 =	vor.u32 v0, v2  }
0xd4: {  	v8 =	vadd.s32 $0x1, v2;
	v10 =	vimm.f32 $0.0e+00;
	v6 =	vld.idx.msk [tilespmem:v6+s13+$0x0], $0xffff;
	v7 =	vmul.bf16 v7, v11  }
0xd5: {  	v13 =	vmul.bf16 v14, v13;
	v19 =	vmul.bf16 v3, v4;
	v3 =	vand.u32 $0x3F, v8  }
0xd6: {  	v12 =	vmul.bf16 v17, v12;
	v4 =	vadd.s32 $0x2, v2;
	v8 =	vor.u32 v1, v3  }
0xd7: {  	v15 =	vmul.bf16 v15, v7;
	v11 =	vand.u32 $0x3F, v4;
	v4 =	vld.idx.msk [tilespmem:v5+s13+$0x0], $0xffff;
	v5 =	vor.u32 v0, v3  }
0xd8: {  	v20 =	vunpack.i.l.bf16.f32 v19;
	v3 =	vld.idx.msk [tilespmem:v9+s13+$0x0], $0xffff;
	v9 =	vor.u32 v1, v11;
	v19 =	vunpack.i.u.bf16.f32 v19  }
0xd9: {  	v7 =	vld.idx.msk [tilespmem:v18+s16+$0x0], $0xffff;
	v14 =	vmul.bf16 v6, v13;
	v20 =	vadd.f32 v20, v10;
	v19 =	vadd.f32 v19, v10  }
0xda: {  	v13 =	vand.u32 $0x3F, v16;
	v21 =	vunpack.i.u.bf16.f32 v15;
	v15 =	vunpack.i.l.bf16.f32 v15;
	v10 =	vld.idx.msk [tilespmem:v18+s15+$0x0], $0xffff  }
0xdb: {  	s25 =	simm.s32 $0x4;
	s24 =	sadd.s32 $0x26C0, s24;
	v11 =	vor.u32 v0, v11;
	v15 =	vadd.f32 v15, v20;
	v16 =	vadd.f32 v21, v19;
	v6 =	vld.idx.msk [tilespmem:v8+s15+$0x0], $0xffff  }
.LBB2_13:
0xdc: {  	s25 =	sadd.s32 $0x4, s25;
	v8 =	vld.idx.msk [tilespmem:v8+s16+$0x0], $0xffff;
	v17 =	vor.u32 v1, v13;
	v18 =	vunpack.i.u.bf16.f32 v14;
	v14 =	vunpack.i.l.bf16.f32 v14  }
0xdd: {  	v4 =	vmul.bf16 v4, v12;
	p0 =	slt.u32 s25, $0x3C;
	v19 =	vld.idx.msk [tilespmem:v9+s15+$0x0], $0xffff;
	v14 =	vadd.f32 v14, v15;
	v15 =	vadd.f32 v18, v16  }
0xde: {  	v2 =	vadd.s32 $0x4, v2;
	v12 =	vld.idx.msk [tilespmem:v9+s16+$0x0], $0xffff  }
0xdf: {  	v2 =	vand.u32 $0x3F, v2;
	v9 =	vld.idx.msk [tilespmem:v5+s13+$0x0], $0xffff;
	v5 =	vor.u32 v0, v13;
	v13 =	vunpack.i.u.bf16.f32 v4  }
0xe0: {  	v7 =	vmul.bf16 v7, v10;
	v4 =	vunpack.i.l.bf16.f32 v4;
	v16 =	vld.idx.msk [tilespmem:v11+s13+$0x0], $0xffff;
	v10 =	vadd.f32 v13, v15  }
0xe1: {  	v11 =	vor.u32 v0, v2;
	v13 =	vadd.s32 $0x3, v2;
	v14 =	vadd.f32 v4, v14;
	v15 =	vld.idx.msk [tilespmem:v17+s16+$0x0], $0xffff  }
0xe2: {  	v18 =	vor.u32 v1, v2;
	v4 =	vadd.s32 $0x1, v2;
	v7 =	vmul.bf16 v3, v7;
	v17 =	vld.idx.msk [tilespmem:v17+s15+$0x0], $0xffff  }
0xe3: {  	v3 =	vand.u32 $0x3F, v4;
	v4 =	vadd.s32 $0x2, v2;
	v6 =	vmul.bf16 v8, v6  }
0xe4: {  	v8 =	vor.u32 v1, v3;
	v20 =	vand.u32 $0x3F, v4;
	v21 =	vunpack.i.l.bf16.f32 v7;
	v4 =	vld.idx.msk [tilespmem:v5+s13+$0x0], $0xffff  }
.Ltmp5:
0xe5: {  	v5 =	vor.u32 v0, v3;
	v21 =	vadd.f32 v21, v14;
	v6 =	vmul.bf16 v9, v6;
	(pc) =	sbr.rel @p0 .LBB2_13-.Ltmp5, $4  }
0xe6: {  	v12 =	vmul.bf16 v12, v19;
	v9 =	vor.u32 v1, v20;
	v3 =	vld.idx.msk [tilespmem:v11+s13+$0x0], $0xffff;
	v11 =	vunpack.i.u.bf16.f32 v7  }
0xe7: {  	v22 =	vunpack.i.u.bf16.f32 v6;
	v23 =	vunpack.i.l.bf16.f32 v6;
	v7 =	vld.idx.msk [tilespmem:v18+s16+$0x0], $0xffff;
	v19 =	vadd.f32 v11, v10  }
0xe8: {  	v14 =	vmul.bf16 v16, v12;
	v11 =	vor.u32 v0, v20;
	v12 =	vmul.bf16 v15, v17;
	v10 =	vld.idx.msk [tilespmem:v18+s15+$0x0], $0xffff  }
0xe9: {  	v13 =	vand.u32 $0x3F, v13;
	v15 =	vadd.f32 v23, v21;
	v6 =	vld.idx.msk [tilespmem:v8+s15+$0x0], $0xffff;
	v16 =	vadd.f32 v22, v19  }
0xea: {  	_ =	sdelay $0x3  }
0xeb: {  	v2 =	vld.idx.msk [tilespmem:v8+s16+$0x0], $0xffff;
	v1 =	vor.u32 v1, v13  }
0xec: {  	v48 =	vld.idx.msk [tilespmem:v9+s15+$0x0], $0xffff  }
0xed: {  	v49 =	vld.idx.msk [tilespmem:v9+s16+$0x0], $0xffff  }
0xee: {  	v5 =	vld.idx.msk [tilespmem:v5+s13+$0x0], $0xffff;
	v0 =	vor.u32 v0, v13  }
0xef: {  	v11 =	vld.idx.msk [tilespmem:v11+s13+$0x0], $0xffff;
	v4 =	vmul.bf16 v4, v12  }
0xf0: {  	v50 =	vunpack.i.u.bf16.f32 v14;
	v51 =	vunpack.i.l.bf16.f32 v14;
	v7 =	vmul.bf16 v7, v10;
	v52 =	vld.idx.msk [tilespmem:v1+s16+$0x0], $0xffff  }
0xf1: {  	v53 =	vadd.f32 v51, v15;
	v13 =	vadd.f32 v50, v16;
	v54 =	vunpack.i.u.bf16.f32 v4;
	v1 =	vld.idx.msk [tilespmem:v1+s15+$0x0], $0xffff  }
0xf2: {  	v4 =	vunpack.i.l.bf16.f32 v4;
	v2 =	vmul.bf16 v2, v6;
	v3 =	vmul.bf16 v3, v7  }
0xf3: {  	v4 =	vadd.f32 v4, v53;
	v6 =	vadd.f32 v54, v13;
	v0 =	vld.idx.msk [tilespmem:v0+s13+$0x0], $0xffff;
	v56 =	vmul.bf16 v49, v48  }
0xf4: {  	v2 =	vmul.bf16 v5, v2;
	v55 =	vunpack.i.l.bf16.f32 v3;
	v3 =	vunpack.i.u.bf16.f32 v3  }
0xf5: {  	v58 =	vmul.bf16 v11, v56;
	v4 =	vadd.f32 v55, v4;
	v3 =	vadd.f32 v3, v6  }
0xf6: {  	v57 =	vunpack.i.u.bf16.f32 v2;
	v2 =	vunpack.i.l.bf16.f32 v2;
	v1 =	vmul.bf16 v52, v1  }
0xf7: {  	v2 =	vadd.f32 v2, v4;
	v3 =	vadd.f32 v57, v3  }
0xf8: {  	v59 =	vunpack.i.u.bf16.f32 v58;
	v60 =	vunpack.i.l.bf16.f32 v58;
	v0 =	vmul.bf16 v0, v1  }
0xf9: {  	s23 =	sadd.s32 $0x1, s23;
	v61 =	vadd.f32 v60, v2;
	v62 =	vadd.f32 v59, v3  }
0xfa: {  	p0 =	sne.s32 s23, $0x5;
	v63 =	vunpack.i.u.bf16.f32 v0;
	v0 =	vunpack.i.l.bf16.f32 v0  }
.Ltmp6:
0xfb: {  	v2 =	vadd.f32 v63, v62;
	v0 =	vadd.f32 v0, v61;
	(pc) =	sbr.rel @p0 .LBB2_12-.Ltmp6, $3  }
0xfc: {  	_ = 	snop  }
0xfd: {  	v0 =	vadd.f32 v2, v0;
	_ =	sdelay $0x1  }
0xfe: {  	[tilespmem:s24+$0x14230] =	vst v0  }
0xff: {  	s22 =	sadd.s32 $0x1, s22  }
0x100: {  	p0 =	sne.s32 s22, s9  }
.Ltmp7:
0x101: {  	_ = 	snop;
	(pc) =	sbr.rel @p0 .LBB2_1-.Ltmp7, $4  }
0x102: {  	[hbm4b:s8+s2] =	stream.linear.scatter [tilespmem:s21], [sflag:$0x3], $0x2710, $0x38;
	[tilespmem:$0x16940] =	vst v63  }
0x103: {  	_ =	swait.ge [sflag:s10], $0x2710  }
0x104: {  	[sflag:s10] =	ssyncset.done $0x0  }
0x105: {  	[sflag:s10] =	ssyncadd.s32 $0xFFFFD8F0  }
0x106: {  	_ =	sfence.sel $0x180000  }
0x107: {  	[bflag:$0x0] =	sbarrier.arrive $0xFFFF  }
0x108: {  	p0 =	sne.s32 s1, $0x0;
	_ =	strace $0x90000047  }
0x109: {  	s0 =	sadd.s32 @!p0 $0x100000, s0;
	[bflag:$0x2] =	sbarrier.arrive $0xFFFF  }
0x10a: {  	[sflag:s0] =	ssyncadd.tile.s32 @!p0 $0x1;
	_ =	shalt  }
.Lfunc_end2:
_tile_overlayer_lowered:
.L_overlay_start_2:
0x10b: {  	(tag) =	ssettag $0x2  }
0x10c: {  	s0 =	rddreg [dreg:$0x0];
	s2 =	stileid.u32  }
0x10d: {  	s1 =	rddreg [dreg:$0x1];
	p0 =	sne.s32 s2, $0x0  }
0x10e: {  	s3 =	rddreg [dreg:$0x2];
	[bflag:$0x3] =	sbarrier.arrive $0xFFFF;
	s2 =	simm.s32 @!p0 $0x1C03  }
0x10f: {  	[timem:s3], [sflag:s2] =	dma.local @!p0 [hbm:s0], s1  }
0x110: {  	s0 =	simm.s32 @!p0 $0x3  }
0x111: {  	_ =	swait.ge @!p0 [sflag:s0], s1  }
0x112: {  	s1 =	ssub.s32 @!p0 $0x0, s1;
	[sflag:s0] =	ssyncset.done @!p0 $0x0  }
0x113: {  	[sflag:s0] =	ssyncadd.s32 @!p0 s1  }
0x114: {  	[bflag:$0x3] =	sbarrier.arrive $0xFFFF  }
0x115: {  	_ =	shalt  }

</sc_bundles>
